<compile_context>
chip_gen: v7x
topology: tpu7x:2x2x1
jax: 0.10.2.dev20260603
libtpu: 0.0.44.dev20260713+nightly
codegen_flags: <defaults>
</compile_context>

<pallas_src>
import functools

import jax
import jax.numpy as jnp
from jax import lax
from jax.experimental import pallas as pl
from jax.experimental.pallas import tpu as pltpu
from jax.experimental.pallas import tpu_sc as plsc

_LANES = 16
_CHUNK = 128


def _rsqrt_newton(x):
    xi = lax.bitcast_convert_type(x, jnp.int32)
    yi = jnp.int32(0x5F3759DF) - lax.shift_right_logical(xi, 1)
    y = lax.bitcast_convert_type(yi, jnp.float32)
    xh = x * jnp.float32(0.5)
    y = y * (jnp.float32(1.5) - xh * y * y)
    y = y * (jnp.float32(1.5) - xh * y * y)
    return y


def kernel(entity_embeddings, relation_embeddings, source, r, target_entity_type=1):
    B = source.shape[0]
    D = entity_embeddings.shape[1]
    NC, NS = 2, 16
    NW = NC * NS
    assert B % (NW * _CHUNK) == 0 and D % _LANES == 0
    b_per_w = B // NW
    n_chunks = b_per_w // _CHUNK
    n_vec = D // _LANES

    sign = jnp.where(jnp.asarray(target_entity_type) != 0,
                     jnp.float32(1.0), jnp.float32(-1.0))
    sign_arr = jnp.broadcast_to(sign, (_LANES,)).astype(jnp.float32)

    mesh = plsc.VectorSubcoreMesh(core_axis_name="c", subcore_axis_name="s")

    @functools.partial(
        pl.kernel,
        mesh=mesh,
        compiler_params=pltpu.CompilerParams(needs_layout_passes=False,
                                             use_tc_tiling_on_sc=False),
        out_type=jax.ShapeDtypeStruct((B, D), jnp.float32),
        scratch_types=[
            pltpu.VMEM((n_chunks, _CHUNK), jnp.int32),
            pltpu.VMEM((n_chunks, _CHUNK), jnp.int32),
            pltpu.VMEM((b_per_w, D), jnp.float32),
            pltpu.VMEM((b_per_w, D), jnp.float32),
            pltpu.VMEM((b_per_w, D), jnp.float32),
            pltpu.VMEM((_LANES,), jnp.float32),
            pltpu.SemaphoreType.DMA,
            pltpu.SemaphoreType.DMA,
        ],
    )
    def _translate(ent_hbm, rel_hbm, src_hbm, r_hbm, sign_hbm, out_hbm,
                   idx_s, idx_r, rows_e, rows_r, rows_o, sign_v, sem_e, sem_r):
        wid = lax.axis_index("s") * NC + lax.axis_index("c")
        base = wid * b_per_w

        pltpu.sync_copy(sign_hbm, sign_v)
        for j in range(n_chunks):
            pltpu.sync_copy(src_hbm.at[pl.ds(base + j * _CHUNK, _CHUNK)],
                            idx_s.at[j])
            pltpu.sync_copy(r_hbm.at[pl.ds(base + j * _CHUNK, _CHUNK)],
                            idx_r.at[j])

        copies = []
        for j in range(n_chunks):
            copies.append(pltpu.async_copy(
                ent_hbm.at[idx_s.at[j]],
                rows_e.at[pl.ds(j * _CHUNK, _CHUNK)], sem_e))
            copies.append(pltpu.async_copy(
                rel_hbm.at[idx_r.at[j]],
                rows_r.at[pl.ds(j * _CHUNK, _CHUNK)], sem_r))
        for c in copies:
            c.wait()

        sv = sign_v[...]

        def row_body(i, carry):
            e = [rows_e[i, pl.ds(j * _LANES, _LANES)] for j in range(n_vec)]
            rr = [rows_r[i, pl.ds(j * _LANES, _LANES)] for j in range(n_vec)]
            se = e[0] * e[0]
            sr = rr[0] * rr[0]
            for j in range(1, n_vec):
                se = se + e[j] * e[j]
                sr = sr + rr[j] * rr[j]
            te = jnp.maximum(jnp.sum(se), jnp.float32(1e-12))
            tr = jnp.maximum(jnp.sum(sr), jnp.float32(1e-12))
            inv_e = _rsqrt_newton(te)
            inv_rv = sv * _rsqrt_newton(tr)
            for j in range(n_vec):
                rows_o[i, pl.ds(j * _LANES, _LANES)] = e[j] * inv_e + rr[j] * inv_rv
            return carry

        lax.fori_loop(0, b_per_w, row_body, 0)

        pltpu.sync_copy(rows_o, out_hbm.at[pl.ds(base, b_per_w)])

    return _translate(entity_embeddings, relation_embeddings,
                      source.astype(jnp.int32), r.astype(jnp.int32), sign_arr)

# --- scband reference (transcript-rebuilt; emitter-appended) ---
"""Pipeline reference for scband-trans-e-86835648790538 (READ-ONLY COPY).

The authoritative reference and input builder live on the scoring server;
editing this copy changes nothing except your own understanding.
"""

import jax, jax.numpy as jnp
import numpy as np

NUM_ENTITIES = 1000000
NUM_RELATIONS = 1000
EMBED_DIM = 64
BATCH = 16384


def l2_normalize(x, axis=-1, eps=1e-12):
    # matches tf.nn.l2_normalize: x * rsqrt(max(sum(x^2), eps))
    sq = jnp.sum(jnp.square(x), axis=axis, keepdims=True)
    return x * jax.lax.rsqrt(jnp.maximum(sq, eps))


def setup_inputs(seed: int = 0) -> dict:
    key = jax.random.key(seed)
    k1, k2, k3, k4 = jax.random.split(key, 4)
    entity_embeddings = jax.random.normal(k1, (NUM_ENTITIES, EMBED_DIM), dtype=jnp.float32)
    relation_embeddings = jax.random.normal(k2, (NUM_RELATIONS, EMBED_DIM), dtype=jnp.float32)
    source = jax.random.randint(k3, (BATCH,), 0, NUM_ENTITIES, dtype=jnp.int64 if jax.config.jax_enable_x64 else jnp.int32)
    r = jax.random.randint(k4, (BATCH,), 0, NUM_RELATIONS, dtype=jnp.int64 if jax.config.jax_enable_x64 else jnp.int32)
    return {
        "entity_embeddings": entity_embeddings,
        "relation_embeddings": relation_embeddings,
        "source": source,
        "r": r,
        "target_entity_type": jnp.array(1, dtype=jnp.int32),
    }


def embed_norm(embeddings, indices):
    # Faithful to TransE.embed_norm: since table rows (1e6 / 1e3) > len(indices)
    # would only be false for the 1e3-row relation table vs 16384 indices.
    if embeddings.shape[0] < indices.shape[0]:
        return jnp.take(l2_normalize(embeddings, axis=-1), indices, axis=0)
    else:
        return l2_normalize(jnp.take(embeddings, indices, axis=0), axis=-1)


def reference(entity_embeddings, relation_embeddings, source, r, target_entity_type=1):
    embedded_s = embed_norm(entity_embeddings, source)
    embedded_r = embed_norm(relation_embeddings, r)
    sign = jnp.where(jnp.asarray(target_entity_type) != 0, jnp.float32(1.0), jnp.float32(-1.0))
    translated = embedded_s + sign * embedded_r
    return translated

if __name__ == "__main__":
    import jax
    _d = setup_inputs()
    print(jax.jit(kernel)(*tuple(_d.values())))

</pallas_src>

<mosaic_0001>
#map = affine_map<(d0, d1) -> (0, 0)>
#map1 = affine_map<(d0, d1) -> (0)>
module attributes {stable_mosaic.version = 14 : i64} {
  func.func @_translate(%arg0: i32, %arg1: i32, %arg2: memref<1000000x64xf32, #tpu.memory_space<hbm>>, %arg3: memref<1000x64xf32, #tpu.memory_space<hbm>>, %arg4: memref<16384xi32, #tpu.memory_space<hbm>>, %arg5: memref<16384xi32, #tpu.memory_space<hbm>>, %arg6: memref<16xf32, #tpu.memory_space<hbm>>, %arg7: memref<16384x64xf32, #tpu.memory_space<hbm>>, %arg8: memref<4x128xi32, #tpu.memory_space<vmem>>, %arg9: memref<4x128xi32, #tpu.memory_space<vmem>>, %arg10: memref<512x64xf32, #tpu.memory_space<vmem>>, %arg11: memref<512x64xf32, #tpu.memory_space<vmem>>, %arg12: memref<512x64xf32, #tpu.memory_space<vmem>>, %arg13: memref<16xf32, #tpu.memory_space<vmem>>, %arg14: memref<!tpu.dma_semaphore, #tpu.memory_space<semaphore_mem>>, %arg15: memref<!tpu.dma_semaphore, #tpu.memory_space<semaphore_mem>>) attributes {dimension_semantics = [#tpu.dimension_semantics<core_parallel>, #tpu.dimension_semantics<subcore_parallel>], iteration_bounds = array<i64: 2, 16>, scalar_prefetch = 0 : i64, scratch_operands = 8 : i64, tpu.core_type = #tpu.core_type<sc_vector_subcore>, window_params = [{transform_indices = #map}, {transform_indices = #map}, {transform_indices = #map1}, {transform_indices = #map1}, {transform_indices = #map1}, {transform_indices = #map}]} {
    %mul3A = arith.constant 2 : i32
    %mul3A_0 = arith.muli %arg1, %mul3A : i32
    %add3A = arith.addi %mul3A_0, %arg0 : i32
    %mul3A_1 = arith.constant 512 : i32
    %mul3A_2 = arith.muli %add3A, %mul3A_1 : i32
    "tpu.region"() ({
      %run_scoped3A_190 = tpu.sem_alloc : memref<!tpu.dma_semaphore, #tpu.memory_space<semaphore_mem>>
      tpu.enqueue_dma source(%arg6 : memref<16xf32, #tpu.memory_space<hbm>>) target(%arg13 : memref<16xf32, #tpu.memory_space<vmem>>) target_semaphore(%run_scoped3A_190 : memref<!tpu.dma_semaphore, #tpu.memory_space<semaphore_mem>>)
      tpu.wait_dma2 semaphore(%run_scoped3A_190 : memref<!tpu.dma_semaphore, #tpu.memory_space<semaphore_mem>>) src(%arg6 : memref<16xf32, #tpu.memory_space<hbm>>) dst(%arg13 : memref<16xf32, #tpu.memory_space<vmem>>)
      tpu.yield
    }) : () -> ()
    %add3A_3 = arith.constant 0 : i32
    %add3A_4 = arith.addi %mul3A_2, %add3A_3 : i32
    %run_scoped3A = arith.constant 0 : i32
    "tpu.region"() ({
      %run_scoped3A_190 = tpu.sem_alloc : memref<!tpu.dma_semaphore, #tpu.memory_space<semaphore_mem>>
      %dma_start3A_191 = arith.constant 0 : i32
      %dma_start3A_192 = tpu.memref_slice %arg8[%run_scoped3A, %dma_start3A_191] : memref<4x128xi32, #tpu.memory_space<vmem>> -> memref<1x128xi32, #tpu.memory_space<vmem>>
      %dma_start3A_193 = tpu.memref_squeeze %dma_start3A_192 : memref<1x128xi32, #tpu.memory_space<vmem>> -> memref<128xi32, #tpu.memory_space<vmem>>
      %dma_start3A_194 = tpu.memref_slice %arg4[%add3A_4] : memref<16384xi32, #tpu.memory_space<hbm>> -> memref<128xi32, #tpu.memory_space<hbm>>
      %dma_start3A_195 = arith.constant 0 : i32
      %dma_start3A_196 = tpu.memref_slice %arg8[%run_scoped3A, %dma_start3A_195] : memref<4x128xi32, #tpu.memory_space<vmem>> -> memref<1x128xi32, #tpu.memory_space<vmem>>
      %dma_start3A_197 = tpu.memref_squeeze %dma_start3A_196 : memref<1x128xi32, #tpu.memory_space<vmem>> -> memref<128xi32, #tpu.memory_space<vmem>>
      %dma_start3A_198 = tpu.memref_slice %arg4[%add3A_4] : memref<16384xi32, #tpu.memory_space<hbm>> -> memref<128xi32, #tpu.memory_space<hbm>>
      tpu.enqueue_dma source(%dma_start3A_198 : memref<128xi32, #tpu.memory_space<hbm>>) target(%dma_start3A_197 : memref<128xi32, #tpu.memory_space<vmem>>) target_semaphore(%run_scoped3A_190 : memref<!tpu.dma_semaphore, #tpu.memory_space<semaphore_mem>>)
      %dma_wait3A_199 = arith.constant 0 : i32
      %dma_wait3A_200 = tpu.memref_slice %arg8[%run_scoped3A, %dma_wait3A_199] : memref<4x128xi32, #tpu.memory_space<vmem>> -> memref<1x128xi32, #tpu.memory_space<vmem>>
      %dma_wait3A_201 = tpu.memref_squeeze %dma_wait3A_200 : memref<1x128xi32, #tpu.memory_space<vmem>> -> memref<128xi32, #tpu.memory_space<vmem>>
      %dma_wait3A_202 = tpu.memref_slice %arg4[%add3A_4] : memref<16384xi32, #tpu.memory_space<hbm>> -> memref<128xi32, #tpu.memory_space<hbm>>
      %dma_wait3A_203 = arith.constant 0 : i32
      %dma_wait3A_204 = tpu.memref_slice %arg8[%run_scoped3A, %dma_wait3A_203] : memref<4x128xi32, #tpu.memory_space<vmem>> -> memref<1x128xi32, #tpu.memory_space<vmem>>
      %dma_wait3A_205 = tpu.memref_squeeze %dma_wait3A_204 : memref<1x128xi32, #tpu.memory_space<vmem>> -> memref<128xi32, #tpu.memory_space<vmem>>
      %dma_wait3A_206 = tpu.memref_slice %arg4[%add3A_4] : memref<16384xi32, #tpu.memory_space<hbm>> -> memref<128xi32, #tpu.memory_space<hbm>>
      tpu.wait_dma2 semaphore(%run_scoped3A_190 : memref<!tpu.dma_semaphore, #tpu.memory_space<semaphore_mem>>) src(%dma_wait3A_206 : memref<128xi32, #tpu.memory_space<hbm>>) dst(%dma_wait3A_205 : memref<128xi32, #tpu.memory_space<vmem>>)
      tpu.yield
    }) : () -> ()
    %add3A_5 = arith.constant 0 : i32
    %add3A_6 = arith.addi %mul3A_2, %add3A_5 : i32
    %run_scoped3A_7 = arith.constant 0 : i32
    "tpu.region"() ({
      %run_scoped3A_190 = tpu.sem_alloc : memref<!tpu.dma_semaphore, #tpu.memory_space<semaphore_mem>>
      %dma_start3A_191 = arith.constant 0 : i32
      %dma_start3A_192 = tpu.memref_slice %arg9[%run_scoped3A_7, %dma_start3A_191] : memref<4x128xi32, #tpu.memory_space<vmem>> -> memref<1x128xi32, #tpu.memory_space<vmem>>
      %dma_start3A_193 = tpu.memref_squeeze %dma_start3A_192 : memref<1x128xi32, #tpu.memory_space<vmem>> -> memref<128xi32, #tpu.memory_space<vmem>>
      %dma_start3A_194 = tpu.memref_slice %arg5[%add3A_6] : memref<16384xi32, #tpu.memory_space<hbm>> -> memref<128xi32, #tpu.memory_space<hbm>>
      %dma_start3A_195 = arith.constant 0 : i32
      %dma_start3A_196 = tpu.memref_slice %arg9[%run_scoped3A_7, %dma_start3A_195] : memref<4x128xi32, #tpu.memory_space<vmem>> -> memref<1x128xi32, #tpu.memory_space<vmem>>
      %dma_start3A_197 = tpu.memref_squeeze %dma_start3A_196 : memref<1x128xi32, #tpu.memory_space<vmem>> -> memref<128xi32, #tpu.memory_space<vmem>>
      %dma_start3A_198 = tpu.memref_slice %arg5[%add3A_6] : memref<16384xi32, #tpu.memory_space<hbm>> -> memref<128xi32, #tpu.memory_space<hbm>>
      tpu.enqueue_dma source(%dma_start3A_198 : memref<128xi32, #tpu.memory_space<hbm>>) target(%dma_start3A_197 : memref<128xi32, #tpu.memory_space<vmem>>) target_semaphore(%run_scoped3A_190 : memref<!tpu.dma_semaphore, #tpu.memory_space<semaphore_mem>>)
      %dma_wait3A_199 = arith.constant 0 : i32
      %dma_wait3A_200 = tpu.memref_slice %arg9[%run_scoped3A_7, %dma_wait3A_199] : memref<4x128xi32, #tpu.memory_space<vmem>> -> memref<1x128xi32, #tpu.memory_space<vmem>>
      %dma_wait3A_201 = tpu.memref_squeeze %dma_wait3A_200 : memref<1x128xi32, #tpu.memory_space<vmem>> -> memref<128xi32, #tpu.memory_space<vmem>>
      %dma_wait3A_202 = tpu.memref_slice %arg5[%add3A_6] : memref<16384xi32, #tpu.memory_space<hbm>> -> memref<128xi32, #tpu.memory_space<hbm>>
      %dma_wait3A_203 = arith.constant 0 : i32
      %dma_wait3A_204 = tpu.memref_slice %arg9[%run_scoped3A_7, %dma_wait3A_203] : memref<4x128xi32, #tpu.memory_space<vmem>> -> memref<1x128xi32, #tpu.memory_space<vmem>>
      %dma_wait3A_205 = tpu.memref_squeeze %dma_wait3A_204 : memref<1x128xi32, #tpu.memory_space<vmem>> -> memref<128xi32, #tpu.memory_space<vmem>>
      %dma_wait3A_206 = tpu.memref_slice %arg5[%add3A_6] : memref<16384xi32, #tpu.memory_space<hbm>> -> memref<128xi32, #tpu.memory_space<hbm>>
      tpu.wait_dma2 semaphore(%run_scoped3A_190 : memref<!tpu.dma_semaphore, #tpu.memory_space<semaphore_mem>>) src(%dma_wait3A_206 : memref<128xi32, #tpu.memory_space<hbm>>) dst(%dma_wait3A_205 : memref<128xi32, #tpu.memory_space<vmem>>)
      tpu.yield
    }) : () -> ()
    %add3A_8 = arith.constant 128 : i32
    %add3A_9 = arith.addi %mul3A_2, %add3A_8 : i32
    %run_scoped3A_10 = arith.constant 1 : i32
    "tpu.region"() ({
      %run_scoped3A_190 = tpu.sem_alloc : memref<!tpu.dma_semaphore, #tpu.memory_space<semaphore_mem>>
      %dma_start3A_191 = arith.constant 0 : i32
      %dma_start3A_192 = tpu.memref_slice %arg8[%run_scoped3A_10, %dma_start3A_191] : memref<4x128xi32, #tpu.memory_space<vmem>> -> memref<1x128xi32, #tpu.memory_space<vmem>>
      %dma_start3A_193 = tpu.memref_squeeze %dma_start3A_192 : memref<1x128xi32, #tpu.memory_space<vmem>> -> memref<128xi32, #tpu.memory_space<vmem>>
      %dma_start3A_194 = tpu.memref_slice %arg4[%add3A_9] : memref<16384xi32, #tpu.memory_space<hbm>> -> memref<128xi32, #tpu.memory_space<hbm>>
      %dma_start3A_195 = arith.constant 0 : i32
      %dma_start3A_196 = tpu.memref_slice %arg8[%run_scoped3A_10, %dma_start3A_195] : memref<4x128xi32, #tpu.memory_space<vmem>> -> memref<1x128xi32, #tpu.memory_space<vmem>>
      %dma_start3A_197 = tpu.memref_squeeze %dma_start3A_196 : memref<1x128xi32, #tpu.memory_space<vmem>> -> memref<128xi32, #tpu.memory_space<vmem>>
      %dma_start3A_198 = tpu.memref_slice %arg4[%add3A_9] : memref<16384xi32, #tpu.memory_space<hbm>> -> memref<128xi32, #tpu.memory_space<hbm>>
      tpu.enqueue_dma source(%dma_start3A_198 : memref<128xi32, #tpu.memory_space<hbm>>) target(%dma_start3A_197 : memref<128xi32, #tpu.memory_space<vmem>>) target_semaphore(%run_scoped3A_190 : memref<!tpu.dma_semaphore, #tpu.memory_space<semaphore_mem>>)
      %dma_wait3A_199 = arith.constant 0 : i32
      %dma_wait3A_200 = tpu.memref_slice %arg8[%run_scoped3A_10, %dma_wait3A_199] : memref<4x128xi32, #tpu.memory_space<vmem>> -> memref<1x128xi32, #tpu.memory_space<vmem>>
      %dma_wait3A_201 = tpu.memref_squeeze %dma_wait3A_200 : memref<1x128xi32, #tpu.memory_space<vmem>> -> memref<128xi32, #tpu.memory_space<vmem>>
      %dma_wait3A_202 = tpu.memref_slice %arg4[%add3A_9] : memref<16384xi32, #tpu.memory_space<hbm>> -> memref<128xi32, #tpu.memory_space<hbm>>
      %dma_wait3A_203 = arith.constant 0 : i32
      %dma_wait3A_204 = tpu.memref_slice %arg8[%run_scoped3A_10, %dma_wait3A_203] : memref<4x128xi32, #tpu.memory_space<vmem>> -> memref<1x128xi32, #tpu.memory_space<vmem>>
      %dma_wait3A_205 = tpu.memref_squeeze %dma_wait3A_204 : memref<1x128xi32, #tpu.memory_space<vmem>> -> memref<128xi32, #tpu.memory_space<vmem>>
      %dma_wait3A_206 = tpu.memref_slice %arg4[%add3A_9] : memref<16384xi32, #tpu.memory_space<hbm>> -> memref<128xi32, #tpu.memory_space<hbm>>
      tpu.wait_dma2 semaphore(%run_scoped3A_190 : memref<!tpu.dma_semaphore, #tpu.memory_space<semaphore_mem>>) src(%dma_wait3A_206 : memref<128xi32, #tpu.memory_space<hbm>>) dst(%dma_wait3A_205 : memref<128xi32, #tpu.memory_space<vmem>>)
      tpu.yield
    }) : () -> ()
    %add3A_11 = arith.constant 128 : i32
    %add3A_12 = arith.addi %mul3A_2, %add3A_11 : i32
    %run_scoped3A_13 = arith.constant 1 : i32
    "tpu.region"() ({
      %run_scoped3A_190 = tpu.sem_alloc : memref<!tpu.dma_semaphore, #tpu.memory_space<semaphore_mem>>
      %dma_start3A_191 = arith.constant 0 : i32
      %dma_start3A_192 = tpu.memref_slice %arg9[%run_scoped3A_13, %dma_start3A_191] : memref<4x128xi32, #tpu.memory_space<vmem>> -> memref<1x128xi32, #tpu.memory_space<vmem>>
      %dma_start3A_193 = tpu.memref_squeeze %dma_start3A_192 : memref<1x128xi32, #tpu.memory_space<vmem>> -> memref<128xi32, #tpu.memory_space<vmem>>
      %dma_start3A_194 = tpu.memref_slice %arg5[%add3A_12] : memref<16384xi32, #tpu.memory_space<hbm>> -> memref<128xi32, #tpu.memory_space<hbm>>
      %dma_start3A_195 = arith.constant 0 : i32
      %dma_start3A_196 = tpu.memref_slice %arg9[%run_scoped3A_13, %dma_start3A_195] : memref<4x128xi32, #tpu.memory_space<vmem>> -> memref<1x128xi32, #tpu.memory_space<vmem>>
      %dma_start3A_197 = tpu.memref_squeeze %dma_start3A_196 : memref<1x128xi32, #tpu.memory_space<vmem>> -> memref<128xi32, #tpu.memory_space<vmem>>
      %dma_start3A_198 = tpu.memref_slice %arg5[%add3A_12] : memref<16384xi32, #tpu.memory_space<hbm>> -> memref<128xi32, #tpu.memory_space<hbm>>
      tpu.enqueue_dma source(%dma_start3A_198 : memref<128xi32, #tpu.memory_space<hbm>>) target(%dma_start3A_197 : memref<128xi32, #tpu.memory_space<vmem>>) target_semaphore(%run_scoped3A_190 : memref<!tpu.dma_semaphore, #tpu.memory_space<semaphore_mem>>)
      %dma_wait3A_199 = arith.constant 0 : i32
      %dma_wait3A_200 = tpu.memref_slice %arg9[%run_scoped3A_13, %dma_wait3A_199] : memref<4x128xi32, #tpu.memory_space<vmem>> -> memref<1x128xi32, #tpu.memory_space<vmem>>
      %dma_wait3A_201 = tpu.memref_squeeze %dma_wait3A_200 : memref<1x128xi32, #tpu.memory_space<vmem>> -> memref<128xi32, #tpu.memory_space<vmem>>
      %dma_wait3A_202 = tpu.memref_slice %arg5[%add3A_12] : memref<16384xi32, #tpu.memory_space<hbm>> -> memref<128xi32, #tpu.memory_space<hbm>>
      %dma_wait3A_203 = arith.constant 0 : i32
      %dma_wait3A_204 = tpu.memref_slice %arg9[%run_scoped3A_13, %dma_wait3A_203] : memref<4x128xi32, #tpu.memory_space<vmem>> -> memref<1x128xi32, #tpu.memory_space<vmem>>
      %dma_wait3A_205 = tpu.memref_squeeze %dma_wait3A_204 : memref<1x128xi32, #tpu.memory_space<vmem>> -> memref<128xi32, #tpu.memory_space<vmem>>
      %dma_wait3A_206 = tpu.memref_slice %arg5[%add3A_12] : memref<16384xi32, #tpu.memory_space<hbm>> -> memref<128xi32, #tpu.memory_space<hbm>>
      tpu.wait_dma2 semaphore(%run_scoped3A_190 : memref<!tpu.dma_semaphore, #tpu.memory_space<semaphore_mem>>) src(%dma_wait3A_206 : memref<128xi32, #tpu.memory_space<hbm>>) dst(%dma_wait3A_205 : memref<128xi32, #tpu.memory_space<vmem>>)
      tpu.yield
    }) : () -> ()
    %add3A_14 = arith.constant 256 : i32
    %add3A_15 = arith.addi %mul3A_2, %add3A_14 : i32
    %run_scoped3A_16 = arith.constant 2 : i32
    "tpu.region"() ({
      %run_scoped3A_190 = tpu.sem_alloc : memref<!tpu.dma_semaphore, #tpu.memory_space<semaphore_mem>>
      %dma_start3A_191 = arith.constant 0 : i32
      %dma_start3A_192 = tpu.memref_slice %arg8[%run_scoped3A_16, %dma_start3A_191] : memref<4x128xi32, #tpu.memory_space<vmem>> -> memref<1x128xi32, #tpu.memory_space<vmem>>
      %dma_start3A_193 = tpu.memref_squeeze %dma_start3A_192 : memref<1x128xi32, #tpu.memory_space<vmem>> -> memref<128xi32, #tpu.memory_space<vmem>>
      %dma_start3A_194 = tpu.memref_slice %arg4[%add3A_15] : memref<16384xi32, #tpu.memory_space<hbm>> -> memref<128xi32, #tpu.memory_space<hbm>>
      %dma_start3A_195 = arith.constant 0 : i32
      %dma_start3A_196 = tpu.memref_slice %arg8[%run_scoped3A_16, %dma_start3A_195] : memref<4x128xi32, #tpu.memory_space<vmem>> -> memref<1x128xi32, #tpu.memory_space<vmem>>
      %dma_start3A_197 = tpu.memref_squeeze %dma_start3A_196 : memref<1x128xi32, #tpu.memory_space<vmem>> -> memref<128xi32, #tpu.memory_space<vmem>>
      %dma_start3A_198 = tpu.memref_slice %arg4[%add3A_15] : memref<16384xi32, #tpu.memory_space<hbm>> -> memref<128xi32, #tpu.memory_space<hbm>>
      tpu.enqueue_dma source(%dma_start3A_198 : memref<128xi32, #tpu.memory_space<hbm>>) target(%dma_start3A_197 : memref<128xi32, #tpu.memory_space<vmem>>) target_semaphore(%run_scoped3A_190 : memref<!tpu.dma_semaphore, #tpu.memory_space<semaphore_mem>>)
      %dma_wait3A_199 = arith.constant 0 : i32
      %dma_wait3A_200 = tpu.memref_slice %arg8[%run_scoped3A_16, %dma_wait3A_199] : memref<4x128xi32, #tpu.memory_space<vmem>> -> memref<1x128xi32, #tpu.memory_space<vmem>>
      %dma_wait3A_201 = tpu.memref_squeeze %dma_wait3A_200 : memref<1x128xi32, #tpu.memory_space<vmem>> -> memref<128xi32, #tpu.memory_space<vmem>>
      %dma_wait3A_202 = tpu.memref_slice %arg4[%add3A_15] : memref<16384xi32, #tpu.memory_space<hbm>> -> memref<128xi32, #tpu.memory_space<hbm>>
      %dma_wait3A_203 = arith.constant 0 : i32
      %dma_wait3A_204 = tpu.memref_slice %arg8[%run_scoped3A_16, %dma_wait3A_203] : memref<4x128xi32, #tpu.memory_space<vmem>> -> memref<1x128xi32, #tpu.memory_space<vmem>>
      %dma_wait3A_205 = tpu.memref_squeeze %dma_wait3A_204 : memref<1x128xi32, #tpu.memory_space<vmem>> -> memref<128xi32, #tpu.memory_space<vmem>>
      %dma_wait3A_206 = tpu.memref_slice %arg4[%add3A_15] : memref<16384xi32, #tpu.memory_space<hbm>> -> memref<128xi32, #tpu.memory_space<hbm>>
      tpu.wait_dma2 semaphore(%run_scoped3A_190 : memref<!tpu.dma_semaphore, #tpu.memory_space<semaphore_mem>>) src(%dma_wait3A_206 : memref<128xi32, #tpu.memory_space<hbm>>) dst(%dma_wait3A_205 : memref<128xi32, #tpu.memory_space<vmem>>)
      tpu.yield
    }) : () -> ()
    %add3A_17 = arith.constant 256 : i32
    %add3A_18 = arith.addi %mul3A_2, %add3A_17 : i32
    %run_scoped3A_19 = arith.constant 2 : i32
    "tpu.region"() ({
      %run_scoped3A_190 = tpu.sem_alloc : memref<!tpu.dma_semaphore, #tpu.memory_space<semaphore_mem>>
      %dma_start3A_191 = arith.constant 0 : i32
      %dma_start3A_192 = tpu.memref_slice %arg9[%run_scoped3A_19, %dma_start3A_191] : memref<4x128xi32, #tpu.memory_space<vmem>> -> memref<1x128xi32, #tpu.memory_space<vmem>>
      %dma_start3A_193 = tpu.memref_squeeze %dma_start3A_192 : memref<1x128xi32, #tpu.memory_space<vmem>> -> memref<128xi32, #tpu.memory_space<vmem>>
      %dma_start3A_194 = tpu.memref_slice %arg5[%add3A_18] : memref<16384xi32, #tpu.memory_space<hbm>> -> memref<128xi32, #tpu.memory_space<hbm>>
      %dma_start3A_195 = arith.constant 0 : i32
      %dma_start3A_196 = tpu.memref_slice %arg9[%run_scoped3A_19, %dma_start3A_195] : memref<4x128xi32, #tpu.memory_space<vmem>> -> memref<1x128xi32, #tpu.memory_space<vmem>>
      %dma_start3A_197 = tpu.memref_squeeze %dma_start3A_196 : memref<1x128xi32, #tpu.memory_space<vmem>> -> memref<128xi32, #tpu.memory_space<vmem>>
      %dma_start3A_198 = tpu.memref_slice %arg5[%add3A_18] : memref<16384xi32, #tpu.memory_space<hbm>> -> memref<128xi32, #tpu.memory_space<hbm>>
      tpu.enqueue_dma source(%dma_start3A_198 : memref<128xi32, #tpu.memory_space<hbm>>) target(%dma_start3A_197 : memref<128xi32, #tpu.memory_space<vmem>>) target_semaphore(%run_scoped3A_190 : memref<!tpu.dma_semaphore, #tpu.memory_space<semaphore_mem>>)
      %dma_wait3A_199 = arith.constant 0 : i32
      %dma_wait3A_200 = tpu.memref_slice %arg9[%run_scoped3A_19, %dma_wait3A_199] : memref<4x128xi32, #tpu.memory_space<vmem>> -> memref<1x128xi32, #tpu.memory_space<vmem>>
      %dma_wait3A_201 = tpu.memref_squeeze %dma_wait3A_200 : memref<1x128xi32, #tpu.memory_space<vmem>> -> memref<128xi32, #tpu.memory_space<vmem>>
      %dma_wait3A_202 = tpu.memref_slice %arg5[%add3A_18] : memref<16384xi32, #tpu.memory_space<hbm>> -> memref<128xi32, #tpu.memory_space<hbm>>
      %dma_wait3A_203 = arith.constant 0 : i32
      %dma_wait3A_204 = tpu.memref_slice %arg9[%run_scoped3A_19, %dma_wait3A_203] : memref<4x128xi32, #tpu.memory_space<vmem>> -> memref<1x128xi32, #tpu.memory_space<vmem>>
      %dma_wait3A_205 = tpu.memref_squeeze %dma_wait3A_204 : memref<1x128xi32, #tpu.memory_space<vmem>> -> memref<128xi32, #tpu.memory_space<vmem>>
      %dma_wait3A_206 = tpu.memref_slice %arg5[%add3A_18] : memref<16384xi32, #tpu.memory_space<hbm>> -> memref<128xi32, #tpu.memory_space<hbm>>
      tpu.wait_dma2 semaphore(%run_scoped3A_190 : memref<!tpu.dma_semaphore, #tpu.memory_space<semaphore_mem>>) src(%dma_wait3A_206 : memref<128xi32, #tpu.memory_space<hbm>>) dst(%dma_wait3A_205 : memref<128xi32, #tpu.memory_space<vmem>>)
      tpu.yield
    }) : () -> ()
    %add3A_20 = arith.constant 384 : i32
    %add3A_21 = arith.addi %mul3A_2, %add3A_20 : i32
    %run_scoped3A_22 = arith.constant 3 : i32
    "tpu.region"() ({
      %run_scoped3A_190 = tpu.sem_alloc : memref<!tpu.dma_semaphore, #tpu.memory_space<semaphore_mem>>
      %dma_start3A_191 = arith.constant 0 : i32
      %dma_start3A_192 = tpu.memref_slice %arg8[%run_scoped3A_22, %dma_start3A_191] : memref<4x128xi32, #tpu.memory_space<vmem>> -> memref<1x128xi32, #tpu.memory_space<vmem>>
      %dma_start3A_193 = tpu.memref_squeeze %dma_start3A_192 : memref<1x128xi32, #tpu.memory_space<vmem>> -> memref<128xi32, #tpu.memory_space<vmem>>
      %dma_start3A_194 = tpu.memref_slice %arg4[%add3A_21] : memref<16384xi32, #tpu.memory_space<hbm>> -> memref<128xi32, #tpu.memory_space<hbm>>
      %dma_start3A_195 = arith.constant 0 : i32
      %dma_start3A_196 = tpu.memref_slice %arg8[%run_scoped3A_22, %dma_start3A_195] : memref<4x128xi32, #tpu.memory_space<vmem>> -> memref<1x128xi32, #tpu.memory_space<vmem>>
      %dma_start3A_197 = tpu.memref_squeeze %dma_start3A_196 : memref<1x128xi32, #tpu.memory_space<vmem>> -> memref<128xi32, #tpu.memory_space<vmem>>
      %dma_start3A_198 = tpu.memref_slice %arg4[%add3A_21] : memref<16384xi32, #tpu.memory_space<hbm>> -> memref<128xi32, #tpu.memory_space<hbm>>
      tpu.enqueue_dma source(%dma_start3A_198 : memref<128xi32, #tpu.memory_space<hbm>>) target(%dma_start3A_197 : memref<128xi32, #tpu.memory_space<vmem>>) target_semaphore(%run_scoped3A_190 : memref<!tpu.dma_semaphore, #tpu.memory_space<semaphore_mem>>)
      %dma_wait3A_199 = arith.constant 0 : i32
      %dma_wait3A_200 = tpu.memref_slice %arg8[%run_scoped3A_22, %dma_wait3A_199] : memref<4x128xi32, #tpu.memory_space<vmem>> -> memref<1x128xi32, #tpu.memory_space<vmem>>
      %dma_wait3A_201 = tpu.memref_squeeze %dma_wait3A_200 : memref<1x128xi32, #tpu.memory_space<vmem>> -> memref<128xi32, #tpu.memory_space<vmem>>
      %dma_wait3A_202 = tpu.memref_slice %arg4[%add3A_21] : memref<16384xi32, #tpu.memory_space<hbm>> -> memref<128xi32, #tpu.memory_space<hbm>>
      %dma_wait3A_203 = arith.constant 0 : i32
      %dma_wait3A_204 = tpu.memref_slice %arg8[%run_scoped3A_22, %dma_wait3A_203] : memref<4x128xi32, #tpu.memory_space<vmem>> -> memref<1x128xi32, #tpu.memory_space<vmem>>
      %dma_wait3A_205 = tpu.memref_squeeze %dma_wait3A_204 : memref<1x128xi32, #tpu.memory_space<vmem>> -> memref<128xi32, #tpu.memory_space<vmem>>
      %dma_wait3A_206 = tpu.memref_slice %arg4[%add3A_21] : memref<16384xi32, #tpu.memory_space<hbm>> -> memref<128xi32, #tpu.memory_space<hbm>>
      tpu.wait_dma2 semaphore(%run_scoped3A_190 : memref<!tpu.dma_semaphore, #tpu.memory_space<semaphore_mem>>) src(%dma_wait3A_206 : memref<128xi32, #tpu.memory_space<hbm>>) dst(%dma_wait3A_205 : memref<128xi32, #tpu.memory_space<vmem>>)
      tpu.yield
    }) : () -> ()
    %add3A_23 = arith.constant 384 : i32
    %add3A_24 = arith.addi %mul3A_2, %add3A_23 : i32
    %run_scoped3A_25 = arith.constant 3 : i32
    "tpu.region"() ({
      %run_scoped3A_190 = tpu.sem_alloc : memref<!tpu.dma_semaphore, #tpu.memory_space<semaphore_mem>>
      %dma_start3A_191 = arith.constant 0 : i32
      %dma_start3A_192 = tpu.memref_slice %arg9[%run_scoped3A_25, %dma_start3A_191] : memref<4x128xi32, #tpu.memory_space<vmem>> -> memref<1x128xi32, #tpu.memory_space<vmem>>
      %dma_start3A_193 = tpu.memref_squeeze %dma_start3A_192 : memref<1x128xi32, #tpu.memory_space<vmem>> -> memref<128xi32, #tpu.memory_space<vmem>>
      %dma_start3A_194 = tpu.memref_slice %arg5[%add3A_24] : memref<16384xi32, #tpu.memory_space<hbm>> -> memref<128xi32, #tpu.memory_space<hbm>>
      %dma_start3A_195 = arith.constant 0 : i32
      %dma_start3A_196 = tpu.memref_slice %arg9[%run_scoped3A_25, %dma_start3A_195] : memref<4x128xi32, #tpu.memory_space<vmem>> -> memref<1x128xi32, #tpu.memory_space<vmem>>
      %dma_start3A_197 = tpu.memref_squeeze %dma_start3A_196 : memref<1x128xi32, #tpu.memory_space<vmem>> -> memref<128xi32, #tpu.memory_space<vmem>>
      %dma_start3A_198 = tpu.memref_slice %arg5[%add3A_24] : memref<16384xi32, #tpu.memory_space<hbm>> -> memref<128xi32, #tpu.memory_space<hbm>>
      tpu.enqueue_dma source(%dma_start3A_198 : memref<128xi32, #tpu.memory_space<hbm>>) target(%dma_start3A_197 : memref<128xi32, #tpu.memory_space<vmem>>) target_semaphore(%run_scoped3A_190 : memref<!tpu.dma_semaphore, #tpu.memory_space<semaphore_mem>>)
      %dma_wait3A_199 = arith.constant 0 : i32
      %dma_wait3A_200 = tpu.memref_slice %arg9[%run_scoped3A_25, %dma_wait3A_199] : memref<4x128xi32, #tpu.memory_space<vmem>> -> memref<1x128xi32, #tpu.memory_space<vmem>>
      %dma_wait3A_201 = tpu.memref_squeeze %dma_wait3A_200 : memref<1x128xi32, #tpu.memory_space<vmem>> -> memref<128xi32, #tpu.memory_space<vmem>>
      %dma_wait3A_202 = tpu.memref_slice %arg5[%add3A_24] : memref<16384xi32, #tpu.memory_space<hbm>> -> memref<128xi32, #tpu.memory_space<hbm>>
      %dma_wait3A_203 = arith.constant 0 : i32
      %dma_wait3A_204 = tpu.memref_slice %arg9[%run_scoped3A_25, %dma_wait3A_203] : memref<4x128xi32, #tpu.memory_space<vmem>> -> memref<1x128xi32, #tpu.memory_space<vmem>>
      %dma_wait3A_205 = tpu.memref_squeeze %dma_wait3A_204 : memref<1x128xi32, #tpu.memory_space<vmem>> -> memref<128xi32, #tpu.memory_space<vmem>>
      %dma_wait3A_206 = tpu.memref_slice %arg5[%add3A_24] : memref<16384xi32, #tpu.memory_space<hbm>> -> memref<128xi32, #tpu.memory_space<hbm>>
      tpu.wait_dma2 semaphore(%run_scoped3A_190 : memref<!tpu.dma_semaphore, #tpu.memory_space<semaphore_mem>>) src(%dma_wait3A_206 : memref<128xi32, #tpu.memory_space<hbm>>) dst(%dma_wait3A_205 : memref<128xi32, #tpu.memory_space<vmem>>)
      tpu.yield
    }) : () -> ()
    %dma_start3A = arith.constant 0 : i32
    %dma_start3A_26 = arith.constant 0 : i32
    %dma_start3A_27 = arith.constant 0 : i32
    %dma_start3A_28 = tpu.memref_slice %arg10[%dma_start3A_26, %dma_start3A_27] : memref<512x64xf32, #tpu.memory_space<vmem>> -> memref<128x64xf32, #tpu.memory_space<vmem>>
    %dma_start3A_29 = arith.constant 0 : i32
    %dma_start3A_30 = tpu.memref_slice %arg8[%dma_start3A, %dma_start3A_29] : memref<4x128xi32, #tpu.memory_space<vmem>> -> memref<1x128xi32, #tpu.memory_space<vmem>>
    %dma_start3A_31 = tpu.memref_squeeze %dma_start3A_30 : memref<1x128xi32, #tpu.memory_space<vmem>> -> memref<128xi32, #tpu.memory_space<vmem>>
    %dma_start3A_32 = arith.constant 0 : i32
    %dma_start3A_33 = arith.constant 0 : i32
    %dma_start3A_34 = tpu.memref_slice %arg2[%dma_start3A_32, %dma_start3A_33] : memref<1000000x64xf32, #tpu.memory_space<hbm>> -> memref<1000000x64xf32, #tpu.memory_space<hbm>>
    tpu.enqueue_indirect_dma source(%dma_start3A_34 : memref<1000000x64xf32, #tpu.memory_space<hbm>>) target(%dma_start3A_28 : memref<128x64xf32, #tpu.memory_space<vmem>>) offsets(%dma_start3A_31 : memref<128xi32, #tpu.memory_space<vmem>>) semaphore(%arg14 : memref<!tpu.dma_semaphore, #tpu.memory_space<semaphore_mem>>)
    %dma_start3A_35 = arith.constant 0 : i32
    %dma_start3A_36 = arith.constant 0 : i32
    %dma_start3A_37 = arith.constant 0 : i32
    %dma_start3A_38 = tpu.memref_slice %arg11[%dma_start3A_36, %dma_start3A_37] : memref<512x64xf32, #tpu.memory_space<vmem>> -> memref<128x64xf32, #tpu.memory_space<vmem>>
    %dma_start3A_39 = arith.constant 0 : i32
    %dma_start3A_40 = tpu.memref_slice %arg9[%dma_start3A_35, %dma_start3A_39] : memref<4x128xi32, #tpu.memory_space<vmem>> -> memref<1x128xi32, #tpu.memory_space<vmem>>
    %dma_start3A_41 = tpu.memref_squeeze %dma_start3A_40 : memref<1x128xi32, #tpu.memory_space<vmem>> -> memref<128xi32, #tpu.memory_space<vmem>>
    %dma_start3A_42 = arith.constant 0 : i32
    %dma_start3A_43 = arith.constant 0 : i32
    %dma_start3A_44 = tpu.memref_slice %arg3[%dma_start3A_42, %dma_start3A_43] : memref<1000x64xf32, #tpu.memory_space<hbm>> -> memref<1000x64xf32, #tpu.memory_space<hbm>>
    tpu.enqueue_indirect_dma source(%dma_start3A_44 : memref<1000x64xf32, #tpu.memory_space<hbm>>) target(%dma_start3A_38 : memref<128x64xf32, #tpu.memory_space<vmem>>) offsets(%dma_start3A_41 : memref<128xi32, #tpu.memory_space<vmem>>) semaphore(%arg15 : memref<!tpu.dma_semaphore, #tpu.memory_space<semaphore_mem>>)
    %dma_start3A_45 = arith.constant 1 : i32
    %dma_start3A_46 = arith.constant 128 : i32
    %dma_start3A_47 = arith.constant 0 : i32
    %dma_start3A_48 = tpu.memref_slice %arg10[%dma_start3A_46, %dma_start3A_47] : memref<512x64xf32, #tpu.memory_space<vmem>> -> memref<128x64xf32, #tpu.memory_space<vmem>>
    %dma_start3A_49 = arith.constant 0 : i32
    %dma_start3A_50 = tpu.memref_slice %arg8[%dma_start3A_45, %dma_start3A_49] : memref<4x128xi32, #tpu.memory_space<vmem>> -> memref<1x128xi32, #tpu.memory_space<vmem>>
    %dma_start3A_51 = tpu.memref_squeeze %dma_start3A_50 : memref<1x128xi32, #tpu.memory_space<vmem>> -> memref<128xi32, #tpu.memory_space<vmem>>
    %dma_start3A_52 = arith.constant 0 : i32
    %dma_start3A_53 = arith.constant 0 : i32
    %dma_start3A_54 = tpu.memref_slice %arg2[%dma_start3A_52, %dma_start3A_53] : memref<1000000x64xf32, #tpu.memory_space<hbm>> -> memref<1000000x64xf32, #tpu.memory_space<hbm>>
    tpu.enqueue_indirect_dma source(%dma_start3A_54 : memref<1000000x64xf32, #tpu.memory_space<hbm>>) target(%dma_start3A_48 : memref<128x64xf32, #tpu.memory_space<vmem>>) offsets(%dma_start3A_51 : memref<128xi32, #tpu.memory_space<vmem>>) semaphore(%arg14 : memref<!tpu.dma_semaphore, #tpu.memory_space<semaphore_mem>>)
    %dma_start3A_55 = arith.constant 1 : i32
    %dma_start3A_56 = arith.constant 128 : i32
    %dma_start3A_57 = arith.constant 0 : i32
    %dma_start3A_58 = tpu.memref_slice %arg11[%dma_start3A_56, %dma_start3A_57] : memref<512x64xf32, #tpu.memory_space<vmem>> -> memref<128x64xf32, #tpu.memory_space<vmem>>
    %dma_start3A_59 = arith.constant 0 : i32
    %dma_start3A_60 = tpu.memref_slice %arg9[%dma_start3A_55, %dma_start3A_59] : memref<4x128xi32, #tpu.memory_space<vmem>> -> memref<1x128xi32, #tpu.memory_space<vmem>>
    %dma_start3A_61 = tpu.memref_squeeze %dma_start3A_60 : memref<1x128xi32, #tpu.memory_space<vmem>> -> memref<128xi32, #tpu.memory_space<vmem>>
    %dma_start3A_62 = arith.constant 0 : i32
    %dma_start3A_63 = arith.constant 0 : i32
    %dma_start3A_64 = tpu.memref_slice %arg3[%dma_start3A_62, %dma_start3A_63] : memref<1000x64xf32, #tpu.memory_space<hbm>> -> memref<1000x64xf32, #tpu.memory_space<hbm>>
    tpu.enqueue_indirect_dma source(%dma_start3A_64 : memref<1000x64xf32, #tpu.memory_space<hbm>>) target(%dma_start3A_58 : memref<128x64xf32, #tpu.memory_space<vmem>>) offsets(%dma_start3A_61 : memref<128xi32, #tpu.memory_space<vmem>>) semaphore(%arg15 : memref<!tpu.dma_semaphore, #tpu.memory_space<semaphore_mem>>)
    %dma_start3A_65 = arith.constant 2 : i32
    %dma_start3A_66 = arith.constant 256 : i32
    %dma_start3A_67 = arith.constant 0 : i32
    %dma_start3A_68 = tpu.memref_slice %arg10[%dma_start3A_66, %dma_start3A_67] : memref<512x64xf32, #tpu.memory_space<vmem>> -> memref<128x64xf32, #tpu.memory_space<vmem>>
    %dma_start3A_69 = arith.constant 0 : i32
    %dma_start3A_70 = tpu.memref_slice %arg8[%dma_start3A_65, %dma_start3A_69] : memref<4x128xi32, #tpu.memory_space<vmem>> -> memref<1x128xi32, #tpu.memory_space<vmem>>
    %dma_start3A_71 = tpu.memref_squeeze %dma_start3A_70 : memref<1x128xi32, #tpu.memory_space<vmem>> -> memref<128xi32, #tpu.memory_space<vmem>>
    %dma_start3A_72 = arith.constant 0 : i32
    %dma_start3A_73 = arith.constant 0 : i32
    %dma_start3A_74 = tpu.memref_slice %arg2[%dma_start3A_72, %dma_start3A_73] : memref<1000000x64xf32, #tpu.memory_space<hbm>> -> memref<1000000x64xf32, #tpu.memory_space<hbm>>
    tpu.enqueue_indirect_dma source(%dma_start3A_74 : memref<1000000x64xf32, #tpu.memory_space<hbm>>) target(%dma_start3A_68 : memref<128x64xf32, #tpu.memory_space<vmem>>) offsets(%dma_start3A_71 : memref<128xi32, #tpu.memory_space<vmem>>) semaphore(%arg14 : memref<!tpu.dma_semaphore, #tpu.memory_space<semaphore_mem>>)
    %dma_start3A_75 = arith.constant 2 : i32
    %dma_start3A_76 = arith.constant 256 : i32
    %dma_start3A_77 = arith.constant 0 : i32
    %dma_start3A_78 = tpu.memref_slice %arg11[%dma_start3A_76, %dma_start3A_77] : memref<512x64xf32, #tpu.memory_space<vmem>> -> memref<128x64xf32, #tpu.memory_space<vmem>>
    %dma_start3A_79 = arith.constant 0 : i32
    %dma_start3A_80 = tpu.memref_slice %arg9[%dma_start3A_75, %dma_start3A_79] : memref<4x128xi32, #tpu.memory_space<vmem>> -> memref<1x128xi32, #tpu.memory_space<vmem>>
    %dma_start3A_81 = tpu.memref_squeeze %dma_start3A_80 : memref<1x128xi32, #tpu.memory_space<vmem>> -> memref<128xi32, #tpu.memory_space<vmem>>
    %dma_start3A_82 = arith.constant 0 : i32
    %dma_start3A_83 = arith.constant 0 : i32
    %dma_start3A_84 = tpu.memref_slice %arg3[%dma_start3A_82, %dma_start3A_83] : memref<1000x64xf32, #tpu.memory_space<hbm>> -> memref<1000x64xf32, #tpu.memory_space<hbm>>
    tpu.enqueue_indirect_dma source(%dma_start3A_84 : memref<1000x64xf32, #tpu.memory_space<hbm>>) target(%dma_start3A_78 : memref<128x64xf32, #tpu.memory_space<vmem>>) offsets(%dma_start3A_81 : memref<128xi32, #tpu.memory_space<vmem>>) semaphore(%arg15 : memref<!tpu.dma_semaphore, #tpu.memory_space<semaphore_mem>>)
    %dma_start3A_85 = arith.constant 3 : i32
    %dma_start3A_86 = arith.constant 384 : i32
    %dma_start3A_87 = arith.constant 0 : i32
    %dma_start3A_88 = tpu.memref_slice %arg10[%dma_start3A_86, %dma_start3A_87] : memref<512x64xf32, #tpu.memory_space<vmem>> -> memref<128x64xf32, #tpu.memory_space<vmem>>
    %dma_start3A_89 = arith.constant 0 : i32
    %dma_start3A_90 = tpu.memref_slice %arg8[%dma_start3A_85, %dma_start3A_89] : memref<4x128xi32, #tpu.memory_space<vmem>> -> memref<1x128xi32, #tpu.memory_space<vmem>>
    %dma_start3A_91 = tpu.memref_squeeze %dma_start3A_90 : memref<1x128xi32, #tpu.memory_space<vmem>> -> memref<128xi32, #tpu.memory_space<vmem>>
    %dma_start3A_92 = arith.constant 0 : i32
    %dma_start3A_93 = arith.constant 0 : i32
    %dma_start3A_94 = tpu.memref_slice %arg2[%dma_start3A_92, %dma_start3A_93] : memref<1000000x64xf32, #tpu.memory_space<hbm>> -> memref<1000000x64xf32, #tpu.memory_space<hbm>>
    tpu.enqueue_indirect_dma source(%dma_start3A_94 : memref<1000000x64xf32, #tpu.memory_space<hbm>>) target(%dma_start3A_88 : memref<128x64xf32, #tpu.memory_space<vmem>>) offsets(%dma_start3A_91 : memref<128xi32, #tpu.memory_space<vmem>>) semaphore(%arg14 : memref<!tpu.dma_semaphore, #tpu.memory_space<semaphore_mem>>)
    %dma_start3A_95 = arith.constant 3 : i32
    %dma_start3A_96 = arith.constant 384 : i32
    %dma_start3A_97 = arith.constant 0 : i32
    %dma_start3A_98 = tpu.memref_slice %arg11[%dma_start3A_96, %dma_start3A_97] : memref<512x64xf32, #tpu.memory_space<vmem>> -> memref<128x64xf32, #tpu.memory_space<vmem>>
    %dma_start3A_99 = arith.constant 0 : i32
    %dma_start3A_100 = tpu.memref_slice %arg9[%dma_start3A_95, %dma_start3A_99] : memref<4x128xi32, #tpu.memory_space<vmem>> -> memref<1x128xi32, #tpu.memory_space<vmem>>
    %dma_start3A_101 = tpu.memref_squeeze %dma_start3A_100 : memref<1x128xi32, #tpu.memory_space<vmem>> -> memref<128xi32, #tpu.memory_space<vmem>>
    %dma_start3A_102 = arith.constant 0 : i32
    %dma_start3A_103 = arith.constant 0 : i32
    %dma_start3A_104 = tpu.memref_slice %arg3[%dma_start3A_102, %dma_start3A_103] : memref<1000x64xf32, #tpu.memory_space<hbm>> -> memref<1000x64xf32, #tpu.memory_space<hbm>>
    tpu.enqueue_indirect_dma source(%dma_start3A_104 : memref<1000x64xf32, #tpu.memory_space<hbm>>) target(%dma_start3A_98 : memref<128x64xf32, #tpu.memory_space<vmem>>) offsets(%dma_start3A_101 : memref<128xi32, #tpu.memory_space<vmem>>) semaphore(%arg15 : memref<!tpu.dma_semaphore, #tpu.memory_space<semaphore_mem>>)
    %dma_wait3A = arith.constant 0 : i32
    %dma_wait3A_105 = arith.constant 0 : i32
    %dma_wait3A_106 = arith.constant 0 : i32
    %dma_wait3A_107 = tpu.memref_slice %arg10[%dma_wait3A_105, %dma_wait3A_106] : memref<512x64xf32, #tpu.memory_space<vmem>> -> memref<128x64xf32, #tpu.memory_space<vmem>>
    %dma_wait3A_108 = arith.constant 0 : i32
    %dma_wait3A_109 = tpu.memref_slice %arg8[%dma_wait3A, %dma_wait3A_108] : memref<4x128xi32, #tpu.memory_space<vmem>> -> memref<1x128xi32, #tpu.memory_space<vmem>>
    %dma_wait3A_110 = tpu.memref_squeeze %dma_wait3A_109 : memref<1x128xi32, #tpu.memory_space<vmem>> -> memref<128xi32, #tpu.memory_space<vmem>>
    %dma_wait3A_111 = arith.constant 0 : i32
    %dma_wait3A_112 = arith.constant 0 : i32
    %dma_wait3A_113 = tpu.memref_slice %arg2[%dma_wait3A_111, %dma_wait3A_112] : memref<1000000x64xf32, #tpu.memory_space<hbm>> -> memref<1000000x64xf32, #tpu.memory_space<hbm>>
    tpu.wait_indirect_dma semaphore(%arg14 : memref<!tpu.dma_semaphore, #tpu.memory_space<semaphore_mem>>) src(%dma_wait3A_113 : memref<1000000x64xf32, #tpu.memory_space<hbm>>) dst(%dma_wait3A_107 : memref<128x64xf32, #tpu.memory_space<vmem>>)
    %dma_wait3A_114 = arith.constant 0 : i32
    %dma_wait3A_115 = arith.constant 0 : i32
    %dma_wait3A_116 = arith.constant 0 : i32
    %dma_wait3A_117 = tpu.memref_slice %arg11[%dma_wait3A_115, %dma_wait3A_116] : memref<512x64xf32, #tpu.memory_space<vmem>> -> memref<128x64xf32, #tpu.memory_space<vmem>>
    %dma_wait3A_118 = arith.constant 0 : i32
    %dma_wait3A_119 = tpu.memref_slice %arg9[%dma_wait3A_114, %dma_wait3A_118] : memref<4x128xi32, #tpu.memory_space<vmem>> -> memref<1x128xi32, #tpu.memory_space<vmem>>
    %dma_wait3A_120 = tpu.memref_squeeze %dma_wait3A_119 : memref<1x128xi32, #tpu.memory_space<vmem>> -> memref<128xi32, #tpu.memory_space<vmem>>
    %dma_wait3A_121 = arith.constant 0 : i32
    %dma_wait3A_122 = arith.constant 0 : i32
    %dma_wait3A_123 = tpu.memref_slice %arg3[%dma_wait3A_121, %dma_wait3A_122] : memref<1000x64xf32, #tpu.memory_space<hbm>> -> memref<1000x64xf32, #tpu.memory_space<hbm>>
    tpu.wait_indirect_dma semaphore(%arg15 : memref<!tpu.dma_semaphore, #tpu.memory_space<semaphore_mem>>) src(%dma_wait3A_123 : memref<1000x64xf32, #tpu.memory_space<hbm>>) dst(%dma_wait3A_117 : memref<128x64xf32, #tpu.memory_space<vmem>>)
    %dma_wait3A_124 = arith.constant 1 : i32
    %dma_wait3A_125 = arith.constant 128 : i32
    %dma_wait3A_126 = arith.constant 0 : i32
    %dma_wait3A_127 = tpu.memref_slice %arg10[%dma_wait3A_125, %dma_wait3A_126] : memref<512x64xf32, #tpu.memory_space<vmem>> -> memref<128x64xf32, #tpu.memory_space<vmem>>
    %dma_wait3A_128 = arith.constant 0 : i32
    %dma_wait3A_129 = tpu.memref_slice %arg8[%dma_wait3A_124, %dma_wait3A_128] : memref<4x128xi32, #tpu.memory_space<vmem>> -> memref<1x128xi32, #tpu.memory_space<vmem>>
    %dma_wait3A_130 = tpu.memref_squeeze %dma_wait3A_129 : memref<1x128xi32, #tpu.memory_space<vmem>> -> memref<128xi32, #tpu.memory_space<vmem>>
    %dma_wait3A_131 = arith.constant 0 : i32
    %dma_wait3A_132 = arith.constant 0 : i32
    %dma_wait3A_133 = tpu.memref_slice %arg2[%dma_wait3A_131, %dma_wait3A_132] : memref<1000000x64xf32, #tpu.memory_space<hbm>> -> memref<1000000x64xf32, #tpu.memory_space<hbm>>
    tpu.wait_indirect_dma semaphore(%arg14 : memref<!tpu.dma_semaphore, #tpu.memory_space<semaphore_mem>>) src(%dma_wait3A_133 : memref<1000000x64xf32, #tpu.memory_space<hbm>>) dst(%dma_wait3A_127 : memref<128x64xf32, #tpu.memory_space<vmem>>)
    %dma_wait3A_134 = arith.constant 1 : i32
    %dma_wait3A_135 = arith.constant 128 : i32
    %dma_wait3A_136 = arith.constant 0 : i32
    %dma_wait3A_137 = tpu.memref_slice %arg11[%dma_wait3A_135, %dma_wait3A_136] : memref<512x64xf32, #tpu.memory_space<vmem>> -> memref<128x64xf32, #tpu.memory_space<vmem>>
    %dma_wait3A_138 = arith.constant 0 : i32
    %dma_wait3A_139 = tpu.memref_slice %arg9[%dma_wait3A_134, %dma_wait3A_138] : memref<4x128xi32, #tpu.memory_space<vmem>> -> memref<1x128xi32, #tpu.memory_space<vmem>>
    %dma_wait3A_140 = tpu.memref_squeeze %dma_wait3A_139 : memref<1x128xi32, #tpu.memory_space<vmem>> -> memref<128xi32, #tpu.memory_space<vmem>>
    %dma_wait3A_141 = arith.constant 0 : i32
    %dma_wait3A_142 = arith.constant 0 : i32
    %dma_wait3A_143 = tpu.memref_slice %arg3[%dma_wait3A_141, %dma_wait3A_142] : memref<1000x64xf32, #tpu.memory_space<hbm>> -> memref<1000x64xf32, #tpu.memory_space<hbm>>
    tpu.wait_indirect_dma semaphore(%arg15 : memref<!tpu.dma_semaphore, #tpu.memory_space<semaphore_mem>>) src(%dma_wait3A_143 : memref<1000x64xf32, #tpu.memory_space<hbm>>) dst(%dma_wait3A_137 : memref<128x64xf32, #tpu.memory_space<vmem>>)
    %dma_wait3A_144 = arith.constant 2 : i32
    %dma_wait3A_145 = arith.constant 256 : i32
    %dma_wait3A_146 = arith.constant 0 : i32
    %dma_wait3A_147 = tpu.memref_slice %arg10[%dma_wait3A_145, %dma_wait3A_146] : memref<512x64xf32, #tpu.memory_space<vmem>> -> memref<128x64xf32, #tpu.memory_space<vmem>>
    %dma_wait3A_148 = arith.constant 0 : i32
    %dma_wait3A_149 = tpu.memref_slice %arg8[%dma_wait3A_144, %dma_wait3A_148] : memref<4x128xi32, #tpu.memory_space<vmem>> -> memref<1x128xi32, #tpu.memory_space<vmem>>
    %dma_wait3A_150 = tpu.memref_squeeze %dma_wait3A_149 : memref<1x128xi32, #tpu.memory_space<vmem>> -> memref<128xi32, #tpu.memory_space<vmem>>
    %dma_wait3A_151 = arith.constant 0 : i32
    %dma_wait3A_152 = arith.constant 0 : i32
    %dma_wait3A_153 = tpu.memref_slice %arg2[%dma_wait3A_151, %dma_wait3A_152] : memref<1000000x64xf32, #tpu.memory_space<hbm>> -> memref<1000000x64xf32, #tpu.memory_space<hbm>>
    tpu.wait_indirect_dma semaphore(%arg14 : memref<!tpu.dma_semaphore, #tpu.memory_space<semaphore_mem>>) src(%dma_wait3A_153 : memref<1000000x64xf32, #tpu.memory_space<hbm>>) dst(%dma_wait3A_147 : memref<128x64xf32, #tpu.memory_space<vmem>>)
    %dma_wait3A_154 = arith.constant 2 : i32
    %dma_wait3A_155 = arith.constant 256 : i32
    %dma_wait3A_156 = arith.constant 0 : i32
    %dma_wait3A_157 = tpu.memref_slice %arg11[%dma_wait3A_155, %dma_wait3A_156] : memref<512x64xf32, #tpu.memory_space<vmem>> -> memref<128x64xf32, #tpu.memory_space<vmem>>
    %dma_wait3A_158 = arith.constant 0 : i32
    %dma_wait3A_159 = tpu.memref_slice %arg9[%dma_wait3A_154, %dma_wait3A_158] : memref<4x128xi32, #tpu.memory_space<vmem>> -> memref<1x128xi32, #tpu.memory_space<vmem>>
    %dma_wait3A_160 = tpu.memref_squeeze %dma_wait3A_159 : memref<1x128xi32, #tpu.memory_space<vmem>> -> memref<128xi32, #tpu.memory_space<vmem>>
    %dma_wait3A_161 = arith.constant 0 : i32
    %dma_wait3A_162 = arith.constant 0 : i32
    %dma_wait3A_163 = tpu.memref_slice %arg3[%dma_wait3A_161, %dma_wait3A_162] : memref<1000x64xf32, #tpu.memory_space<hbm>> -> memref<1000x64xf32, #tpu.memory_space<hbm>>
    tpu.wait_indirect_dma semaphore(%arg15 : memref<!tpu.dma_semaphore, #tpu.memory_space<semaphore_mem>>) src(%dma_wait3A_163 : memref<1000x64xf32, #tpu.memory_space<hbm>>) dst(%dma_wait3A_157 : memref<128x64xf32, #tpu.memory_space<vmem>>)
    %dma_wait3A_164 = arith.constant 3 : i32
    %dma_wait3A_165 = arith.constant 384 : i32
    %dma_wait3A_166 = arith.constant 0 : i32
    %dma_wait3A_167 = tpu.memref_slice %arg10[%dma_wait3A_165, %dma_wait3A_166] : memref<512x64xf32, #tpu.memory_space<vmem>> -> memref<128x64xf32, #tpu.memory_space<vmem>>
    %dma_wait3A_168 = arith.constant 0 : i32
    %dma_wait3A_169 = tpu.memref_slice %arg8[%dma_wait3A_164, %dma_wait3A_168] : memref<4x128xi32, #tpu.memory_space<vmem>> -> memref<1x128xi32, #tpu.memory_space<vmem>>
    %dma_wait3A_170 = tpu.memref_squeeze %dma_wait3A_169 : memref<1x128xi32, #tpu.memory_space<vmem>> -> memref<128xi32, #tpu.memory_space<vmem>>
    %dma_wait3A_171 = arith.constant 0 : i32
    %dma_wait3A_172 = arith.constant 0 : i32
    %dma_wait3A_173 = tpu.memref_slice %arg2[%dma_wait3A_171, %dma_wait3A_172] : memref<1000000x64xf32, #tpu.memory_space<hbm>> -> memref<1000000x64xf32, #tpu.memory_space<hbm>>
    tpu.wait_indirect_dma semaphore(%arg14 : memref<!tpu.dma_semaphore, #tpu.memory_space<semaphore_mem>>) src(%dma_wait3A_173 : memref<1000000x64xf32, #tpu.memory_space<hbm>>) dst(%dma_wait3A_167 : memref<128x64xf32, #tpu.memory_space<vmem>>)
    %dma_wait3A_174 = arith.constant 3 : i32
    %dma_wait3A_175 = arith.constant 384 : i32
    %dma_wait3A_176 = arith.constant 0 : i32
    %dma_wait3A_177 = tpu.memref_slice %arg11[%dma_wait3A_175, %dma_wait3A_176] : memref<512x64xf32, #tpu.memory_space<vmem>> -> memref<128x64xf32, #tpu.memory_space<vmem>>
    %dma_wait3A_178 = arith.constant 0 : i32
    %dma_wait3A_179 = tpu.memref_slice %arg9[%dma_wait3A_174, %dma_wait3A_178] : memref<4x128xi32, #tpu.memory_space<vmem>> -> memref<1x128xi32, #tpu.memory_space<vmem>>
    %dma_wait3A_180 = tpu.memref_squeeze %dma_wait3A_179 : memref<1x128xi32, #tpu.memory_space<vmem>> -> memref<128xi32, #tpu.memory_space<vmem>>
    %dma_wait3A_181 = arith.constant 0 : i32
    %dma_wait3A_182 = arith.constant 0 : i32
    %dma_wait3A_183 = tpu.memref_slice %arg3[%dma_wait3A_181, %dma_wait3A_182] : memref<1000x64xf32, #tpu.memory_space<hbm>> -> memref<1000x64xf32, #tpu.memory_space<hbm>>
    tpu.wait_indirect_dma semaphore(%arg15 : memref<!tpu.dma_semaphore, #tpu.memory_space<semaphore_mem>>) src(%dma_wait3A_183 : memref<1000x64xf32, #tpu.memory_space<hbm>>) dst(%dma_wait3A_177 : memref<128x64xf32, #tpu.memory_space<vmem>>)
    %get3A = arith.constant 0 : index
    %get3A_184 = tpu.vector_load %arg13[%get3A] {strides = array<i32>} : memref<16xf32, #tpu.memory_space<vmem>>, vector<16xf32>,
    %scan3A = arith.constant 0 : i32
    %scan3A_185 = arith.constant 0 : i32
    %scan3A_186 = arith.constant 512 : i32
    %scan3A_187 = arith.addi %scan3A_185, %scan3A_186 : i32
    %scan3A_188 = arith.constant 1 : i32
    scf.for %scan3A_190 = %scan3A_185 to %scan3A_187 step %scan3A_188  : i32 {
      %get3A_191 = arith.index_cast %scan3A_190 : i32 to index
      %get3A_192 = arith.constant 0 : index
      %get3A_193 = tpu.vector_load %arg10[%get3A_191, %get3A_192] {strides = array<i32>} : memref<512x64xf32, #tpu.memory_space<vmem>>, vector<16xf32>,
      %get3A_194 = arith.index_cast %scan3A_190 : i32 to index
      %get3A_195 = arith.constant 16 : index
      %get3A_196 = tpu.vector_load %arg10[%get3A_194, %get3A_195] {strides = array<i32>} : memref<512x64xf32, #tpu.memory_space<vmem>>, vector<16xf32>,
      %get3A_197 = arith.index_cast %scan3A_190 : i32 to index
      %get3A_198 = arith.constant 32 : index
      %get3A_199 = tpu.vector_load %arg10[%get3A_197, %get3A_198] {strides = array<i32>} : memref<512x64xf32, #tpu.memory_space<vmem>>, vector<16xf32>,
      %get3A_200 = arith.index_cast %scan3A_190 : i32 to index
      %get3A_201 = arith.constant 48 : index
      %get3A_202 = tpu.vector_load %arg10[%get3A_200, %get3A_201] {strides = array<i32>} : memref<512x64xf32, #tpu.memory_space<vmem>>, vector<16xf32>,
      %get3A_203 = arith.index_cast %scan3A_190 : i32 to index
      %get3A_204 = arith.constant 0 : index
      %get3A_205 = tpu.vector_load %arg11[%get3A_203, %get3A_204] {strides = array<i32>} : memref<512x64xf32, #tpu.memory_space<vmem>>, vector<16xf32>,
      %get3A_206 = arith.index_cast %scan3A_190 : i32 to index
      %get3A_207 = arith.constant 16 : index
      %get3A_208 = tpu.vector_load %arg11[%get3A_206, %get3A_207] {strides = array<i32>} : memref<512x64xf32, #tpu.memory_space<vmem>>, vector<16xf32>,
      %get3A_209 = arith.index_cast %scan3A_190 : i32 to index
      %get3A_210 = arith.constant 32 : index
      %get3A_211 = tpu.vector_load %arg11[%get3A_209, %get3A_210] {strides = array<i32>} : memref<512x64xf32, #tpu.memory_space<vmem>>, vector<16xf32>,
      %get3A_212 = arith.index_cast %scan3A_190 : i32 to index
      %get3A_213 = arith.constant 48 : index
      %get3A_214 = tpu.vector_load %arg11[%get3A_212, %get3A_213] {strides = array<i32>} : memref<512x64xf32, #tpu.memory_space<vmem>>, vector<16xf32>,
      %mul3A_215 = arith.mulf %get3A_193, %get3A_193 : vector<16xf32>
      %mul3A_216 = arith.mulf %get3A_205, %get3A_205 : vector<16xf32>
      %mul3A_217 = arith.mulf %get3A_196, %get3A_196 : vector<16xf32>
      %add3A_218 = arith.addf %mul3A_215, %mul3A_217 : vector<16xf32>
      %mul3A_219 = arith.mulf %get3A_208, %get3A_208 : vector<16xf32>
      %add3A_220 = arith.addf %mul3A_216, %mul3A_219 : vector<16xf32>
      %mul3A_221 = arith.mulf %get3A_199, %get3A_199 : vector<16xf32>
      %add3A_222 = arith.addf %add3A_218, %mul3A_221 : vector<16xf32>
      %mul3A_223 = arith.mulf %get3A_211, %get3A_211 : vector<16xf32>
      %add3A_224 = arith.addf %add3A_220, %mul3A_223 : vector<16xf32>
      %mul3A_225 = arith.mulf %get3A_202, %get3A_202 : vector<16xf32>
      %add3A_226 = arith.addf %add3A_222, %mul3A_225 : vector<16xf32>
      %mul3A_227 = arith.mulf %get3A_214, %get3A_214 : vector<16xf32>
      %add3A_228 = arith.addf %add3A_224, %mul3A_227 : vector<16xf32>
      %reduce_sum3A = arith.constant true
      %reduce_sum3A_229 = vector.broadcast %reduce_sum3A : i1 to vector<16xi1>
      %reduce_sum3A_230 = tpu.scan <sum>, %add3A_226 masked %reduce_sum3A_229 : vector<16xf32>, vector<16xi1> -> vector<16xf32>
      %reduce_sum3A_231 = vector.extract %reduce_sum3A_230[15] : f32 from vector<16xf32>
      %max3A = arith.constant 9.99999996E-13 : f32
      %max3A_232 = arith.maximumf %reduce_sum3A_231, %max3A : f32
      %reduce_sum3A_233 = arith.constant true
      %reduce_sum3A_234 = vector.broadcast %reduce_sum3A_233 : i1 to vector<16xi1>
      %reduce_sum3A_235 = tpu.scan <sum>, %add3A_228 masked %reduce_sum3A_234 : vector<16xf32>, vector<16xi1> -> vector<16xf32>
      %reduce_sum3A_236 = vector.extract %reduce_sum3A_235[15] : f32 from vector<16xf32>
      %max3A_237 = arith.constant 9.99999996E-13 : f32
      %max3A_238 = arith.maximumf %reduce_sum3A_236, %max3A_237 : f32
      %bitcast_convert_type3A = arith.bitcast %max3A_232 : f32 to i32
      %shift_right_logical3A = arith.constant 1 : i32
      %shift_right_logical3A_239 = arith.shrui %bitcast_convert_type3A, %shift_right_logical3A : i32
      %sub3A = arith.constant 1597463007 : i32
      %sub3A_240 = arith.subi %sub3A, %shift_right_logical3A_239 : i32
      %bitcast_convert_type3A_241 = arith.bitcast %sub3A_240 : i32 to f32
      %mul3A_242 = arith.constant 5.000000e-01 : f32
      %mul3A_243 = arith.mulf %max3A_232, %mul3A_242 : f32
      %mul3A_244 = arith.mulf %mul3A_243, %bitcast_convert_type3A_241 : f32
      %mul3A_245 = arith.mulf %mul3A_244, %bitcast_convert_type3A_241 : f32
      %sub3A_246 = arith.constant 1.500000e+00 : f32
      %sub3A_247 = arith.subf %sub3A_246, %mul3A_245 : f32
      %mul3A_248 = arith.mulf %bitcast_convert_type3A_241, %sub3A_247 : f32
      %mul3A_249 = arith.mulf %mul3A_243, %mul3A_248 : f32
      %mul3A_250 = arith.mulf %mul3A_249, %mul3A_248 : f32
      %sub3A_251 = arith.constant 1.500000e+00 : f32
      %sub3A_252 = arith.subf %sub3A_251, %mul3A_250 : f32
      %mul3A_253 = arith.mulf %mul3A_248, %sub3A_252 : f32
      %bitcast_convert_type3A_254 = arith.bitcast %max3A_238 : f32 to i32
      %shift_right_logical3A_255 = arith.constant 1 : i32
      %shift_right_logical3A_256 = arith.shrui %bitcast_convert_type3A_254, %shift_right_logical3A_255 : i32
      %sub3A_257 = arith.constant 1597463007 : i32
      %sub3A_258 = arith.subi %sub3A_257, %shift_right_logical3A_256 : i32
      %bitcast_convert_type3A_259 = arith.bitcast %sub3A_258 : i32 to f32
      %mul3A_260 = arith.constant 5.000000e-01 : f32
      %mul3A_261 = arith.mulf %max3A_238, %mul3A_260 : f32
      %mul3A_262 = arith.mulf %mul3A_261, %bitcast_convert_type3A_259 : f32
      %mul3A_263 = arith.mulf %mul3A_262, %bitcast_convert_type3A_259 : f32
      %sub3A_264 = arith.constant 1.500000e+00 : f32
      %sub3A_265 = arith.subf %sub3A_264, %mul3A_263 : f32
      %mul3A_266 = arith.mulf %bitcast_convert_type3A_259, %sub3A_265 : f32
      %mul3A_267 = arith.mulf %mul3A_261, %mul3A_266 : f32
      %mul3A_268 = arith.mulf %mul3A_267, %mul3A_266 : f32
      %sub3A_269 = arith.constant 1.500000e+00 : f32
      %sub3A_270 = arith.subf %sub3A_269, %mul3A_268 : f32
      %mul3A_271 = arith.mulf %mul3A_266, %sub3A_270 : f32
      %mul3A_272 = vector.broadcast %mul3A_271 : f32 to vector<16xf32>
      %mul3A_273 = arith.mulf %get3A_184, %mul3A_272 : vector<16xf32>
      %mul3A_274 = vector.broadcast %mul3A_253 : f32 to vector<16xf32>
      %mul3A_275 = arith.mulf %get3A_193, %mul3A_274 : vector<16xf32>
      %mul3A_276 = arith.mulf %get3A_205, %mul3A_273 : vector<16xf32>
      %add3A_277 = arith.addf %mul3A_275, %mul3A_276 : vector<16xf32>
      %swap3A = arith.index_cast %scan3A_190 : i32 to index
      %swap3A_278 = arith.constant 0 : index
      %swap3A_279 = tpu.vector_load %arg12[%swap3A, %swap3A_278] {strides = array<i32>} : memref<512x64xf32, #tpu.memory_space<vmem>>, vector<16xf32>,
      tpu.vector_store %arg12[%swap3A, %swap3A_278], %add3A_277 {strides = array<i32>} : memref<512x64xf32, #tpu.memory_space<vmem>>, vector<16xf32>,
      %mul3A_280 = vector.broadcast %mul3A_253 : f32 to vector<16xf32>
      %mul3A_281 = arith.mulf %get3A_196, %mul3A_280 : vector<16xf32>
      %mul3A_282 = arith.mulf %get3A_208, %mul3A_273 : vector<16xf32>
      %add3A_283 = arith.addf %mul3A_281, %mul3A_282 : vector<16xf32>
      %swap3A_284 = arith.index_cast %scan3A_190 : i32 to index
      %swap3A_285 = arith.constant 16 : index
      %swap3A_286 = tpu.vector_load %arg12[%swap3A_284, %swap3A_285] {strides = array<i32>} : memref<512x64xf32, #tpu.memory_space<vmem>>, vector<16xf32>,
      tpu.vector_store %arg12[%swap3A_284, %swap3A_285], %add3A_283 {strides = array<i32>} : memref<512x64xf32, #tpu.memory_space<vmem>>, vector<16xf32>,
      %mul3A_287 = vector.broadcast %mul3A_253 : f32 to vector<16xf32>
      %mul3A_288 = arith.mulf %get3A_199, %mul3A_287 : vector<16xf32>
      %mul3A_289 = arith.mulf %get3A_211, %mul3A_273 : vector<16xf32>
      %add3A_290 = arith.addf %mul3A_288, %mul3A_289 : vector<16xf32>
      %swap3A_291 = arith.index_cast %scan3A_190 : i32 to index
      %swap3A_292 = arith.constant 32 : index
      %swap3A_293 = tpu.vector_load %arg12[%swap3A_291, %swap3A_292] {strides = array<i32>} : memref<512x64xf32, #tpu.memory_space<vmem>>, vector<16xf32>,
      tpu.vector_store %arg12[%swap3A_291, %swap3A_292], %add3A_290 {strides = array<i32>} : memref<512x64xf32, #tpu.memory_space<vmem>>, vector<16xf32>,
      %mul3A_294 = vector.broadcast %mul3A_253 : f32 to vector<16xf32>
      %mul3A_295 = arith.mulf %get3A_202, %mul3A_294 : vector<16xf32>
      %mul3A_296 = arith.mulf %get3A_214, %mul3A_273 : vector<16xf32>
      %add3A_297 = arith.addf %mul3A_295, %mul3A_296 : vector<16xf32>
      %swap3A_298 = arith.index_cast %scan3A_190 : i32 to index
      %swap3A_299 = arith.constant 48 : index
      %swap3A_300 = tpu.vector_load %arg12[%swap3A_298, %swap3A_299] {strides = array<i32>} : memref<512x64xf32, #tpu.memory_space<vmem>>, vector<16xf32>,
      tpu.vector_store %arg12[%swap3A_298, %swap3A_299], %add3A_297 {strides = array<i32>} : memref<512x64xf32, #tpu.memory_space<vmem>>, vector<16xf32>,
    }
    %scan3A_189 = arith.constant 512 : i32
    "tpu.region"() ({
      %run_scoped3A_190 = tpu.sem_alloc : memref<!tpu.dma_semaphore, #tpu.memory_space<semaphore_mem>>
      %dma_start3A_191 = arith.constant 0 : i32
      %dma_start3A_192 = tpu.memref_slice %arg7[%mul3A_2, %dma_start3A_191] : memref<16384x64xf32, #tpu.memory_space<hbm>> -> memref<512x64xf32, #tpu.memory_space<hbm>>
      %dma_start3A_193 = arith.constant 0 : i32
      %dma_start3A_194 = tpu.memref_slice %arg7[%mul3A_2, %dma_start3A_193] : memref<16384x64xf32, #tpu.memory_space<hbm>> -> memref<512x64xf32, #tpu.memory_space<hbm>>
      tpu.enqueue_dma source(%arg12 : memref<512x64xf32, #tpu.memory_space<vmem>>) target(%dma_start3A_194 : memref<512x64xf32, #tpu.memory_space<hbm>>) target_semaphore(%run_scoped3A_190 : memref<!tpu.dma_semaphore, #tpu.memory_space<semaphore_mem>>)
      %dma_wait3A_195 = arith.constant 0 : i32
      %dma_wait3A_196 = tpu.memref_slice %arg7[%mul3A_2, %dma_wait3A_195] : memref<16384x64xf32, #tpu.memory_space<hbm>> -> memref<512x64xf32, #tpu.memory_space<hbm>>
      %dma_wait3A_197 = arith.constant 0 : i32
      %dma_wait3A_198 = tpu.memref_slice %arg7[%mul3A_2, %dma_wait3A_197] : memref<16384x64xf32, #tpu.memory_space<hbm>> -> memref<512x64xf32, #tpu.memory_space<hbm>>
      tpu.wait_dma2 semaphore(%run_scoped3A_190 : memref<!tpu.dma_semaphore, #tpu.memory_space<semaphore_mem>>) src(%arg12 : memref<512x64xf32, #tpu.memory_space<vmem>>) dst(%dma_wait3A_198 : memref<512x64xf32, #tpu.memory_space<hbm>>)
      tpu.yield
    }) : () -> ()
    return
  }
}

</mosaic_0001>

<sc_bundles>
// kernel: kernel.3.cloned.1.call-start
scs
__scs_entry_jumppad:
0x0: {  	(pc) =	sbr.rel $0x88, $3  }
0x1: {  	(tag) =	ssettag $0x0;
	lr =	simm.s32 $0x1  }
0x2: {  	[smem:$0x3F9C] =	sst lr;
	_ =	strace $0xD0000000  }
0x3: {  	_ = 	snop  }
0x4: {  	_ = 	snop  }
0x5: {  	_ = 	snop  }
0x6: {  	_ = 	snop  }
0x7: {  	_ = 	snop  }
__scs_overlays_trampoline_lowered:
0x8: {  	[smem:$0x3FAB] =	sst s0  }
0x9: {  	[smem:$0x3FAC] =	sst s1  }
0xa: {  	[smem:$0x3FAD] =	sst s2  }
0xb: {  	[smem:$0x3FAE] =	sst s3  }
0xc: {  	[smem:$0x3FAF] =	sst s4  }
0xd: {  	[smem:$0x3FB0] =	sst s5  }
0xe: {  	[smem:$0x3FB1] =	sst s6  }
0xf: {  	[smem:$0x3FB2] =	sst s7  }
0x10: {  	[smem:$0x3FB3] =	sst s8  }
0x11: {  	[smem:$0x3FB4] =	sst s9;
	s0 =	simm.s32 @!p0 $0x0  }
0x12: {  	s1 =	sld [smem:$0x3F9A];
	s0 =	simm.s32 @p0 $0x1  }
0x13: {  	[smem:$0x3FB5] =	sst s0;
	s0 =	simm.s32 @!p1 $0x0  }
0x14: {  	s2 =	sld [smem:$0x3F99];
	s0 =	simm.s32 @p1 $0x1  }
0x15: {  	[smem:$0x3FB6] =	sst s0;
	s0 =	simm.s32 @!p2 $0x0  }
0x16: {  	s3 =	sld [smem:$0x3FDB];
	s0 =	simm.s32 @p2 $0x1  }
0x17: {  	s4 =	simm.s32 $0x1BF5;
	[smem:$0x3FB8] =	sst s0  }
0x18: {  	s0 =	sld [smem:$0x3F9B];
	_ =	swait.ge [sflag:s4], $0x0  }
0x19: {  	s7 =	sld [smem:$0x3F9C]  }
0x1a: {  	s8 =	sadd.s32 $0xFFFFE003, lr  }
0x1b: {  	s9 =	sadd.s32 $0xFFFFFEF7, lr;
	s5 =	simm.s32 $0xFFFFFFFF;
	p2 =	slt.u32 s8, $0xFFFFF086  }
0x1c: {  	p1 =	slt.u32 s9, $0xF7A;
	s5 =	simm.s32 @!p2 $0x0  }
0x1d: {  	s5 =	simm.s32 @p1 $0x1;
	p0 =	seq.s32 s7, s2  }
0x1e: {  	s7 =	smul.u32 @!p0 $0xF7A, s2;
	p2 =	seq.s32 @!p0 s5, $0x0  }
0x1f: {  	s9 =	smul.u32 $0xF7A, s1;
	s8 =	simm.s32 @!p0 $0x1BF5;
	p2 =	por !p2, p0  }
0x20: {  	[sflag:s8] =	ssyncset.s32 @!p0 $0xFFFFF086;
	s6 =	sadd.s32 @!p0 s3, s7;
	s7 =	simm.s32 @!p0 $0x108  }
0x21: {  	s3 =	sadd.s32 s3, s9;
	s6 =	sadd.s32 @!p0 $0x88, s6;
	s7 =	simm.s32 @p2 $0x1082  }
0x22: {  	[simem:s7], [sflag:s8] =	dma.local @!p0 [hbm:s6], $0xF7A  }
0x23: {  	s9 =	sor.u32 $0xD0000000, s2;
	s6 =	simm.s32 $0x108;
	_ =	swait.ge @!p0 [sflag:s8], $0x0  }
0x24: {  	s3 =	sadd.s32 $0x88, s3;
	s6 =	simm.s32 @!p1 $0x1082;
	[sflag:s4] =	ssyncset.s32 $0xFFFFF086  }
0x25: {  	[simem:s6], [sflag:s4] =	dma.local [hbm:s3], $0xF7A  }
0x26: {  	[smem:$0x3F9C] =	sst s1;
	(tag) =	ssettag s2;
	_ =	strace s9  }
0x27: {  	s1 =	sld [smem:$0x3FAC]  }
0x28: {  	s2 =	sld [smem:$0x3FAD]  }
0x29: {  	s4 =	sld [smem:$0x3FAF]  }
0x2a: {  	p0 =	seq.s32 s5, $0x0;
	s5 =	sld [smem:$0x3FB0]  }
0x2b: {  	s6 =	sld [smem:$0x3FB1]  }
0x2c: {  	s7 =	sld [smem:$0x3FB2]  }
0x2d: {  	s3 =	simm.s32 $0x108;
	s8 =	sld [smem:$0x3FB3]  }
0x2e: {  	s3 =	simm.s32 @!p0 $0x1082;
	s9 =	sld [smem:$0x3FB4]  }
0x2f: {  	lr =	sadd.s32 s0, s3;
	s0 =	sld [smem:$0x3FAB]  }
0x30: {  	s3 =	sld [smem:$0x3FAE]  }
0x31: {  	[smem:$0x3FB7] =	sst s10  }
0x32: {  	s10 =	sld [smem:$0x3FB5];
	_ =	sdelay $0x3  }
0x33: {  	p0 =	seq.s32 s10, $0x1;
	s10 =	sld [smem:$0x3FB7];
	_ =	sdelay $0x3  }
0x34: {  	[smem:$0x3FB7] =	sst s10  }
0x35: {  	s10 =	sld [smem:$0x3FB6];
	_ =	sdelay $0x3  }
0x36: {  	p1 =	seq.s32 s10, $0x1;
	s10 =	sld [smem:$0x3FB7];
	_ =	sdelay $0x3  }
0x37: {  	[smem:$0x3FB7] =	sst s10  }
0x38: {  	s10 =	sld [smem:$0x3FB8]  }
0x39: {  	_ = 	snop;
	(pc) =	sbr.ind lr, $3  }
0x3a: {  	_ = 	snop  }
0x3b: {  	_ = 	snop  }
0x3c: {  	p2 =	seq.s32 s10, $0x1;
	s10 =	sld [smem:$0x3FB7]  }
0x3d: {  	_ =	shalt  }
0x3e: {  	_ =	shalt  }
0x3f: {  	_ =	shalt  }
0x40: {  	_ =	shalt  }
0x41: {  	_ =	shalt  }
0x42: {  	_ =	shalt  }
0x43: {  	_ =	shalt  }
0x44: {  	_ =	shalt  }
0x45: {  	_ =	shalt  }
0x46: {  	_ =	shalt  }
0x47: {  	_ =	shalt  }
0x48: {  	_ =	shalt  }
0x49: {  	_ =	shalt  }
0x4a: {  	_ =	shalt  }
0x4b: {  	_ =	shalt  }
0x4c: {  	_ =	shalt  }
0x4d: {  	_ =	shalt  }
0x4e: {  	_ =	shalt  }
0x4f: {  	_ =	shalt  }
0x50: {  	_ =	shalt  }
0x51: {  	_ =	shalt  }
0x52: {  	_ =	shalt  }
0x53: {  	_ =	shalt  }
0x54: {  	_ =	shalt  }
0x55: {  	_ =	shalt  }
0x56: {  	_ =	shalt  }
0x57: {  	_ =	shalt  }
0x58: {  	_ =	shalt  }
0x59: {  	_ =	shalt  }
0x5a: {  	_ =	shalt  }
0x5b: {  	_ =	shalt  }
0x5c: {  	_ =	shalt  }
0x5d: {  	_ =	shalt  }
0x5e: {  	_ =	shalt  }
0x5f: {  	_ =	shalt  }
0x60: {  	_ =	shalt  }
0x61: {  	_ =	shalt  }
0x62: {  	_ =	shalt  }
0x63: {  	_ =	shalt  }
0x64: {  	_ =	shalt  }
0x65: {  	_ =	shalt  }
0x66: {  	_ =	shalt  }
0x67: {  	_ =	shalt  }
0x68: {  	_ =	shalt  }
0x69: {  	_ =	shalt  }
0x6a: {  	_ =	shalt  }
0x6b: {  	_ =	shalt  }
0x6c: {  	_ =	shalt  }
0x6d: {  	_ =	shalt  }
0x6e: {  	_ =	shalt  }
0x6f: {  	_ =	shalt  }
0x70: {  	_ =	shalt  }
0x71: {  	_ =	shalt  }
0x72: {  	_ =	shalt  }
0x73: {  	_ =	shalt  }
0x74: {  	_ =	shalt  }
0x75: {  	_ =	shalt  }
0x76: {  	_ =	shalt  }
0x77: {  	_ =	shalt  }
0x78: {  	_ =	shalt  }
0x79: {  	_ =	shalt  }
0x7a: {  	_ =	shalt  }
0x7b: {  	_ =	shalt  }
0x7c: {  	_ =	shalt  }
0x7d: {  	_ =	shalt  }
0x7e: {  	_ =	shalt  }
0x7f: {  	_ =	shalt  }
0x80: {  	_ =	shalt  }
0x81: {  	_ =	shalt  }
0x82: {  	_ =	shalt  }
0x83: {  	_ =	shalt  }
0x84: {  	_ =	shalt  }
0x85: {  	_ =	shalt  }
0x86: {  	_ =	shalt  }
0x87: {  	_ =	shalt  }
.Lfunc_end0:
.L_simem_size_0:
called_computation_lowered:
.L_overlay_start_0:
0x88: {  	s2 =	sld [smem:$0x3FD9]  }
0x89: {  	s3 =	sld [smem:$0x3FFE];
	_ =	sdelay $0x1  }
0x8a: {  	s1 =	srdreg.scid  }
0x8b: {  	s0 =	sand.u32 $0x1, s1  }
0x8c: {  	s17 =	sshll.u32 s0, $0xA;
	s2 =	sadd.s32 s3, s2  }
0x8d: {  	s2 =	sadd.s32 s2, s17  }
0x8e: {  	[smem:$0x3FC3] =	sst s2  }
0x8f: {  	_ = 	snop  }
0x90: {  	s2 =	sld [smem:$0x3FC7]  }
0x91: {  	s18 =	sld [smem:$0x3FC6]  }
0x92: {  	s4 =	sld [smem:$0x3FD0];
	(tm) =	ssettm $0x1  }
0x93: {  	s5 =	sld [smem:$0x3FFB];
	_ =	sdelay $0x3  }
0x94: {  	_ =	strace s5  }
0x95: {  	s5 =	sld [smem:$0x3FFC];
	_ =	sdelay $0x3  }
0x96: {  	_ =	strace s5  }
0x97: {  	s5 =	sld [smem:$0x3FFD];
	_ =	sdelay $0x3  }
0x98: {  	_ =	strace s5  }
0x99: {  	_ =	strace $0x8FFFFFFF  }
0x9a: {  	s19 =	sld [smem:$0x3FDB];
	_ =	sdelay $0x1  }
0x9b: {  	s6 =	simm.s32 $_scs_section_size  }
0x9c: {  	s7 =	simm.s32 $_size__tile_overlayer_lowered;
	s8 =	simm.s32 $_tile_overlayer_lowered  }
0x9d: {  	s22 =	simm.s32 $0x1BFF;
	s21 =	sshll.u32 s8, $0x1;
	s5 =	sadd.s32 s6, s19  }
0x9e: {  	s9 =	simm.s32 $0x0;
	s20 =	sshll.u32 s7, $0x1;
	s7 =	sadd.s32 s21, s5  }
0x9f: {  	[timem:s9], [sflag:s22] =	dma.local [hbm:s7], s20  }
0xa0: {  	_ =	swait.ge [sflag:s22], s20  }
0xa1: {  	s6 =	ssub.s32 $0x0, s20;
	[sflag:s22] =	ssyncset.done $0x0  }
0xa2: {  	[sflag:s22] =	ssyncadd.s32 s6;
	_ =	sdelay $0x1  }
0xa3: {  	s23 =	simm.s32 $0x1B8B  }
0xa4: {  	_ =	swait.ge [sflag:s23], $0x1  }
0xa5: {  	[sflag:s23] =	ssyncset.done $0x0  }
0xa6: {  	s25 =	simm.s32 $0x1B8E;
	s24 =	sld [smem:$0x3FFE];
	[sflag:s23] =	ssyncadd.s32 $0xFFFFFFFF  }
0xa7: {  	s26 =	simm.s32 $execute0_lowered;
	[smem:$0x3FD2] =	sst s25  }
0xa8: {  	s7 =	sshll.u32 s26, $0x1;
	_ =	strace $0x80000046;
	[dreg:$0x1] =	wrdreg $0xFFFFFFFF  }
0xa9: {  	s28 =	simm.s32 $_size_execute0_lowered;
	s5 =	sadd.s32 s5, s7;
	[dreg:$0x0] =	wrdreg $0x0  }
0xaa: {  	s7 =	sshll.u32 s28, $0x1;
	[dreg:$0x2] =	wrdreg s5  }
0xab: {  	[dreg:$0x3] =	wrdreg s7  }
0xac: {  	[dreg:$0x4] =	wrdreg $0xC0  }
0xad: {  	_ =	task [dreg:s9], $0x5FFFF  }
0xae: {  	[dreg:$0x1] =	wrdreg $0xFFFFFFFF  }
0xaf: {  	[dreg:$0x0] =	wrdreg $0x60  }
0xb0: {  	[dreg:$0x2] =	wrdreg s24  }
0xb1: {  	[dreg:$0x3] =	wrdreg s2  }
0xb2: {  	[dreg:$0x4] =	wrdreg s18  }
0xb3: {  	[dreg:$0x5] =	wrdreg s4  }
0xb4: {  	[dreg:$0x6] =	wrdreg $0x9  }
0xb5: {  	_ =	task.clear_ibuf [dreg:s9], $0x7FFFF;
	_ =	strace $0x90000046  }
0xb6: {  	s29 =	simm.s32 $0x9;
	_ =	strace $0x80000048  }
0xb7: {  	_ =	swait.ge [sflag:s29], $0x1  }
0xb8: {  	[sflag:s29] =	ssyncadd.s32 $0xFFFFFFFF  }
0xb9: {  	_ =	strace $0x90000048  }
0xba: {  	_ =	sfence  }
0xbb: {  	s30 =	sld [smem:$0x0];
	_ =	sdelay $0x2  }
0xbc: {  	s31 =	sshll.u32 s1, $0xD;
	s1 =	sshrl.u32 s1, $0x2  }
0xbd: {  	s3 =	sand.u32 $0x4000, s31;
	s1 =	sadd.s32 s1, s30  }
0xbe: {  	s0 =	sor.u32 s3, s0;
	s1 =	sshll.u32 s1, $0x11  }
0xbf: {  	s0 =	sor.u32 s1, s0  }
0xc0: {  	s0 =	sadd.s32 $0x8F2B, s0  }
0xc1: {  	[sflag:s0] =	ssyncadd.remote.s32 $0x1  }
0xc2: {  	_ =	sfence.sel $0xFFFF  }
0xc3: {  	[dreg:$0x0] =	wrdreg $0xFFFFFFFF;
	(pc) =	sbr.abs _section_cstart, $3  }
0xc4: {  	[dreg:$0x1] =	wrdreg $0xFFFFFFFF  }
0xc5: {  	_ =	task.clear_ibuf [dreg:s9], $0x2FFFF;
	_ =	strace $0x9FFFFFFF  }
0xc6: {  	(tm) =	ssettm $0x7FFFFFFF  }
0xc7: {  	_ =	shalt  }
tec
execute0_lowered:
.L_overlay_start_1:
0x0: {  	(tag) =	ssettag $0x1  }
0x1: {  	s0 =	rddreg [dreg:$0x0]  }
0x2: {  	s1 =	rddreg [dreg:$0x1]  }
0x3: {  	s5 =	rddreg [dreg:$0x2]  }
0x4: {  	s6 =	rddreg [dreg:$0x3];
	s2 =	simm.s32 $0x0  }
0x5: {  	s3 =	srdreg.scid;
	s4 =	stileid.u32;
	s17 =	simm.s32 $0x3  }
0x6: {  	s19 =	simm.s32 $0x80;
	[smem:$0x7FF] =	sst s2;
	s7 =	sand.u32 $0x1, s3  }
0x7: {  	s3 =	sadd.s32 $0xF42A00, s0;
	s8 =	sshll.u32 s4, $0xA;
	s9 =	sshll.u32 s7, $0x9  }
0x8: {  	s4 =	sadd.s32 $0x600, s0;
	s0 =	sadd.s32 $0x2600, s0;
	s8 =	sor.u32 s9, s8  }
0x9: {  	_ =	strace $0x80000047;
	s7 =	ssub.s32 $0x2, s7;
	s9 =	sshrl.u32 s8, $0x3  }
0xa: {  	[dreg:$0x5] =	wrdreg s0;
	s21 =	sshrl.u32 s7, $0x1;
	s22 =	sadd.s32 s1, s9  }
0xb: {  	s23 =	sor.u32 $0x10, s9;
	s10 =	sadd.s32 s5, s9;
	[dreg:$0x6] =	wrdreg s22  }
0xc: {  	s0 =	ssub.s32 s7, s21;
	[dreg:$0x7] =	wrdreg s10;
	s24 =	sadd.s32 s1, s23  }
0xd: {  	s25 =	sor.u32 $0x20, s9;
	s7 =	sadd.s32 s5, s23;
	[dreg:$0x8] =	wrdreg s24  }
0xe: {  	s16 =	simm.s32 $0x1;
	s26 =	sadd.s32 s1, s25;
	[dreg:$0x9] =	wrdreg s7  }
0xf: {  	s29 =	sor.u32 $0x30, s9;
	s30 =	sadd.s32 s5, s25;
	[dreg:$0xa] =	wrdreg s26  }
0x10: {  	s28 =	simm.s32 $0x0;
	s1 =	sadd.s32 s1, s29;
	[dreg:$0xb] =	wrdreg s30  }
0x11: {  	s31 =	sshll.u32 s8, $0x3;
	s5 =	sadd.s32 s5, s29;
	[dreg:$0xc] =	wrdreg s1  }
0x12: {  	s15 =	smax.u32 s0, $0x1;
	[dreg:$0xd] =	wrdreg s5;
	s1 =	sadd.s32 s6, s31  }
0x13: {  	s25 =	simm.s32 $0x2;
	s24 =	simm.s32 $0x380;
	[dreg:$0xe] =	wrdreg s1  }
.LBB2_1:
0x14: {  	s0 =	rddreg [dreg:$0x5];
	s1 =	simm.s32 $0x18400  }
0x15: {  	[tilespmem:s1], [sflag:$0x3] =	stream.linear.gather [hbm4b:s0+s2], $0x10, $0x38;
	[tilespmem:$0x18410] =	vst v63  }
0x16: {  	_ =	swait.ge [sflag:s17], $0x10  }
0x17: {  	[sflag:s17] =	ssyncset.done $0x0  }
0x18: {  	s9 =	rddreg [dreg:$0x6];
	[sflag:s17] =	ssyncadd.s32 $0xFFFFFFF0  }
0x19: {  	[tilespmem:s2], [sflag:$0x3] =	stream.linear.gather [hbm4b:s9+s2], $0x80, $0x38;
	[tilespmem:$0x18410] =	vst v63  }
0x1a: {  	_ =	swait.ge [sflag:s17], $0x80  }
0x1b: {  	[sflag:s17] =	ssyncset.done $0x0  }
0x1c: {  	s11 =	simm.s32 $0x200;
	s10 =	rddreg [dreg:$0x7];
	[sflag:s17] =	ssyncadd.s32 $0xFFFFFF80  }
0x1d: {  	[tilespmem:s11], [sflag:$0x3] =	stream.linear.gather [hbm4b:s10+s2], $0x80, $0x38;
	[tilespmem:$0x18410] =	vst v63  }
0x1e: {  	_ =	swait.ge [sflag:s17], $0x80  }
0x1f: {  	[sflag:s17] =	ssyncset.done $0x0  }
0x20: {  	s12 =	rddreg [dreg:$0x8];
	[sflag:s17] =	ssyncadd.s32 $0xFFFFFF80  }
0x21: {  	[tilespmem:s19], [sflag:$0x3] =	stream.linear.gather [hbm4b:s12+s2], $0x80, $0x38;
	[tilespmem:$0x18410] =	vst v63  }
0x22: {  	_ =	swait.ge [sflag:s17], $0x80  }
0x23: {  	[sflag:s17] =	ssyncset.done $0x0  }
0x24: {  	s5 =	simm.s32 $0x280;
	s13 =	rddreg [dreg:$0x9];
	[sflag:s17] =	ssyncadd.s32 $0xFFFFFF80  }
0x25: {  	[tilespmem:s5], [sflag:$0x3] =	stream.linear.gather [hbm4b:s13+s2], $0x80, $0x38;
	[tilespmem:$0x18410] =	vst v63  }
0x26: {  	_ =	swait.ge [sflag:s17], $0x80  }
0x27: {  	[sflag:s17] =	ssyncset.done $0x0  }
0x28: {  	s6 =	simm.s32 $0x100;
	s14 =	rddreg [dreg:$0xa];
	[sflag:s17] =	ssyncadd.s32 $0xFFFFFF80  }
0x29: {  	[tilespmem:s6], [sflag:$0x3] =	stream.linear.gather [hbm4b:s14+s2], $0x80, $0x38;
	[tilespmem:$0x18410] =	vst v63  }
0x2a: {  	_ =	swait.ge [sflag:s17], $0x80  }
0x2b: {  	[sflag:s17] =	ssyncset.done $0x0  }
0x2c: {  	s7 =	simm.s32 $0x300;
	s18 =	rddreg [dreg:$0xb];
	[sflag:s17] =	ssyncadd.s32 $0xFFFFFF80  }
0x2d: {  	[tilespmem:s7], [sflag:$0x3] =	stream.linear.gather [hbm4b:s18+s2], $0x80, $0x38;
	[tilespmem:$0x18410] =	vst v63  }
0x2e: {  	_ =	swait.ge [sflag:s17], $0x80  }
0x2f: {  	[sflag:s17] =	ssyncset.done $0x0  }
0x30: {  	s8 =	simm.s32 $0x180;
	s20 =	rddreg [dreg:$0xc];
	[sflag:s17] =	ssyncadd.s32 $0xFFFFFF80  }
0x31: {  	[tilespmem:s8], [sflag:$0x3] =	stream.linear.gather [hbm4b:s20+s2], $0x80, $0x38;
	[tilespmem:$0x18410] =	vst v63  }
0x32: {  	_ =	swait.ge [sflag:s17], $0x80  }
0x33: {  	[sflag:s17] =	ssyncset.done $0x0  }
0x34: {  	s21 =	rddreg [dreg:$0xd];
	[sflag:s17] =	ssyncadd.s32 $0xFFFFFF80  }
0x35: {  	[tilespmem:s24], [sflag:$0x3] =	stream.linear.gather [hbm4b:s21+s2], $0x80, $0x38;
	[tilespmem:$0x18410] =	vst v63  }
0x36: {  	_ =	swait.ge [sflag:s17], $0x80  }
0x37: {  	[sflag:s17] =	ssyncset.done $0x0  }
0x38: {  	s22 =	simm.s32 $0x400;
	[sflag:s17] =	ssyncadd.s32 $0xFFFFFF80  }
0x39: {  	[tilespmem:s22], [sflag:$0x1] =	stream.indirect.gather [hbm4b:s3+s19], $0x40, s2, s19, $0xb8;
	[tilespmem:$0x18410] =	vst v63  }
0x3a: {  	s23 =	simm.s32 $0x8400  }
0x3b: {  	[tilespmem:s23], [sflag:$0x2] =	stream.indirect.gather [hbm4b:s4+s19], $0x40, s11, s19, $0xb8;
	[tilespmem:$0x18410] =	vst v63  }
0x3c: {  	s26 =	simm.s32 $0x2400  }
0x3d: {  	[tilespmem:s26], [sflag:$0x1] =	stream.indirect.gather [hbm4b:s3+s19], $0x40, s19, s19, $0xb8;
	[tilespmem:$0x18410] =	vst v63  }
0x3e: {  	s1 =	simm.s32 $0xA400  }
0x3f: {  	[tilespmem:s1], [sflag:$0x2] =	stream.indirect.gather [hbm4b:s4+s19], $0x40, s5, s19, $0xb8;
	[tilespmem:$0x18410] =	vst v63  }
0x40: {  	s9 =	simm.s32 $0x4400  }
0x41: {  	[tilespmem:s9], [sflag:$0x1] =	stream.indirect.gather [hbm4b:s3+s19], $0x40, s6, s19, $0xb8;
	[tilespmem:$0x18410] =	vst v63  }
0x42: {  	s10 =	simm.s32 $0xC400  }
0x43: {  	[tilespmem:s10], [sflag:$0x2] =	stream.indirect.gather [hbm4b:s4+s19], $0x40, s7, s19, $0xb8;
	[tilespmem:$0x18410] =	vst v63  }
0x44: {  	s11 =	simm.s32 $0x6400  }
0x45: {  	[tilespmem:s11], [sflag:$0x1] =	stream.indirect.gather [hbm4b:s3+s19], $0x40, s8, s19, $0xb8;
	[tilespmem:$0x18410] =	vst v63  }
0x46: {  	s12 =	simm.s32 $0xE400  }
0x47: {  	[tilespmem:s12], [sflag:$0x2] =	stream.indirect.gather [hbm4b:s4+s19], $0x40, s24, s19, $0xb8;
	[tilespmem:$0x18410] =	vst v63  }
0x48: {  	_ =	swait.ge [sflag:s16], $0x2000  }
0x49: {  	[sflag:s16] =	ssyncset.done $0x0  }
0x4a: {  	[sflag:s16] =	ssyncadd.s32 $0xFFFFE000  }
0x4b: {  	_ =	swait.ge [sflag:s25], $0x2000  }
0x4c: {  	[sflag:s25] =	ssyncset.done $0x0  }
0x4d: {  	[sflag:s25] =	ssyncadd.s32 $0xFFFFE000  }
0x4e: {  	_ =	swait.ge [sflag:s16], $0x2000  }
0x4f: {  	[sflag:s16] =	ssyncset.done $0x0  }
0x50: {  	[sflag:s16] =	ssyncadd.s32 $0xFFFFE000  }
0x51: {  	_ =	swait.ge [sflag:s25], $0x2000  }
0x52: {  	[sflag:s25] =	ssyncset.done $0x0  }
0x53: {  	[sflag:s25] =	ssyncadd.s32 $0xFFFFE000  }
0x54: {  	_ =	swait.ge [sflag:s16], $0x2000  }
0x55: {  	[sflag:s16] =	ssyncset.done $0x0  }
0x56: {  	[sflag:s16] =	ssyncadd.s32 $0xFFFFE000  }
0x57: {  	_ =	swait.ge [sflag:s25], $0x2000  }
0x58: {  	[sflag:s25] =	ssyncset.done $0x0  }
0x59: {  	[sflag:s25] =	ssyncadd.s32 $0xFFFFE000  }
0x5a: {  	_ =	swait.ge [sflag:s16], $0x2000  }
0x5b: {  	[sflag:s16] =	ssyncset.done $0x0  }
0x5c: {  	[sflag:s16] =	ssyncadd.s32 $0xFFFFE000  }
0x5d: {  	_ =	swait.ge [sflag:s25], $0x2000  }
0x5e: {  	[sflag:s25] =	ssyncset.done $0x0  }
0x5f: {  	s30 =	simm.s32 $0x0;
	[sflag:s25] =	ssyncadd.s32 $0xFFFFE000  }
0x60: {  	v0 =	vld [tilespmem:s30+$0x400]  }
0x61: {  	v8 =	vld [tilespmem:s30+$0x410]  }
0x62: {  	v34 =	vld [tilespmem:s30+$0x8400]  }
0x63: {  	v36 =	vld [tilespmem:s30+$0x8410]  }
0x64: {  	v10 =	vld [tilespmem:s30+$0x420]  }
0x65: {  	v28 =	vld [tilespmem:s30+$0x8420]  }
0x66: {  	v35 =	vld [tilespmem:s30+$0x430]  }
0x67: {  	v37 =	vld [tilespmem:s30+$0x8430];
	v1 =	vmul.f32 v0, v0;
	v2 =	vmul.f32 v8, v8  }
0x68: {  	v3 =	vmul.f32 v34, v34;
	v4 =	vmul.f32 v36, v36  }
0x69: {  	s29 =	simm.s32 $0x40;
	v1 =	vadd.f32 v2, v1;
	v2 =	vmul.f32 v10, v10  }
0x6a: {  	v6 =	vld [tilespmem:s29+$0x410];
	v3 =	vadd.f32 v4, v3;
	v4 =	vmul.f32 v28, v28  }
0x6b: {  	v7 =	vld [tilespmem:s29+$0x8410];
	v1 =	vadd.f32 v2, v1;
	v2 =	vmul.f32 v35, v35  }
0x6c: {  	v5 =	vmul.f32 v37, v37;
	v3 =	vadd.f32 v4, v3;
	v4 =	vld [tilespmem:s29+$0x400]  }
0x6d: {  	v1 =	vadd.f32 v2, v1;
	v2 =	vld [tilespmem:s29+$0x8400]  }
0x6e: {  	v13 =	vld [tilespmem:s29+$0x420];
	v3 =	vadd.f32 v5, v3  }
0x6f: {  	(xrf2) =	vadd.scan.msk.f32 $0xffff, v1;
	v1 =	vld [tilespmem:s29+$0x8420]  }
0x70: {  	v17 =	vld [tilespmem:s29+$0x430];
	(xrf2) =	vadd.scan.msk.f32 $0xffff, v3  }
0x71: {  	v9 =	vld [tilespmem:s29+$0x8430];
	v5 =	vmul.f32 v6, v6;
	v3 =	vmul.f32 v4, v4  }
0x72: {  	v12 =	vmul.f32 v7, v7;
	v11 =	vmul.f32 v2, v2  }
0x73: {  	v3 =	vadd.f32 v5, v3;
	v5 =	vmul.f32 v13, v13  }
0x74: {  	v11 =	vadd.f32 v12, v11;
	v12 =	vmul.f32 v1, v1  }
0x75: {  	v3 =	vadd.f32 v5, v3;
	v5 =	vmul.f32 v17, v17  }
0x76: {  	v11 =	vadd.f32 v12, v11;
	v12 =	vmul.f32 v9, v9  }
0x77: {  	v3 =	vadd.f32 v5, v3  }
0x78: {  	v5 =	vadd.f32 v12, v11  }
0x79: {  	v14, _, _ =	vpop (xrf2);
	(xrf2) =	vadd.scan.msk.f32 $0xffff, v3  }
0x7a: {  	(v2sf) =	vpush v14, $0xF;
	v14, _, _ =	vpop (xrf2);
	(xrf2) =	vadd.scan.msk.f32 $0xffff, v5  }
0x7b: {  	(v2sf) =	vpush v14, $0xF;
	_ =	sdelay $0x1  }
0x7c: {  	s31 =	simm.s32 $0x80  }
0x7d: {  	v15 =	vld [tilespmem:s31+$0x8410]  }
0x7e: {  	v12 =	vld [tilespmem:s31+$0x410]  }
0x7f: {  	v5 =	vld [tilespmem:s31+$0x400]  }
0x80: {  	v14 =	vld [tilespmem:s31+$0x8400]  }
0x81: {  	v3 =	vld [tilespmem:s31+$0x420]  }
0x82: {  	v16 =	vld [tilespmem:s31+$0x8420];
	v11, _, _ =	vpop (xrf2)  }
0x83: {  	v20 =	vld [tilespmem:s31+$0x430];
	(v2sf) =	vpush v11, $0xF;
	v11, _, _ =	vpop (xrf2)  }
0x84: {  	v23 =	vld [tilespmem:s31+$0x8430];
	v18 =	vmul.f32 v12, v12;
	(v2sf) =	vpush v11, $0xF;
	v11 =	vmul.f32 v5, v5  }
0x85: {  	v21 =	vmul.f32 v15, v15;
	v19 =	vmul.f32 v14, v14  }
0x86: {  	v11 =	vadd.f32 v18, v11;
	v18 =	vmul.f32 v3, v3  }
0x87: {  	v19 =	vadd.f32 v21, v19;
	v21 =	vmul.f32 v16, v16  }
0x88: {  	v22 =	vmul.f32 v20, v20;
	s13 =	spop (v2sf);
	v18 =	vadd.f32 v18, v11  }
0x89: {  	v19 =	vadd.f32 v21, v19;
	v21 =	vmul.f32 v23, v23;
	s14 =	spop (v2sf);
	s0 =	smax.f32 s13, $9.999999960e-13  }
0x8a: {  	s1 =	smax.f32 s14, $9.999999960e-13;
	s20 =	smul.f32 $5.000000000e-01, s0;
	s0 =	sshrl.u32 s0, $0x1;
	v22 =	vadd.f32 v22, v18  }
0x8b: {  	v19 =	vadd.f32 v21, v19;
	s22 =	ssub.s32 $0x5F3759DF, s0;
	s0 =	simm.s32 $0xC0  }
0x8c: {  	s18 =	sshrl.u32 s1, $0x1;
	s1 =	smul.f32 $5.000000000e-01, s1;
	v25 =	vld [tilespmem:s0+$0x400];
	(xrf2) =	vadd.scan.msk.f32 $0xffff, v22  }
0x8d: {  	s5 =	ssub.s32 $0x5F3759DF, s18;
	v18 =	vld [tilespmem:s0+$0x410];
	(xrf2) =	vadd.scan.msk.f32 $0xffff, v19  }
0x8e: {  	v24 =	vld [tilespmem:s0+$0x8400];
	s21 =	smul.f32 s5, s1  }
0x8f: {  	s9 =	smul.f32 s22, s20;
	v19 =	vld [tilespmem:s0+$0x420]  }
0x90: {  	v22 =	vld [tilespmem:s0+$0x8410];
	s7 =	smul.f32 s5, s21  }
0x91: {  	v26 =	vld [tilespmem:s0+$0x430];
	s9 =	smul.f32 s22, s9  }
0x92: {  	s7 =	ssub.f32 $1.500000000e+00, s7;
	v29 =	vmul.f32 v25, v25;
	v30 =	vmul.f32 v18, v18  }
0x93: {  	v21 =	vld [tilespmem:s0+$0x8420];
	s9 =	ssub.f32 $1.500000000e+00, s9  }
0x94: {  	s5 =	smul.f32 s5, s7;
	v29 =	vadd.f32 v30, v29;
	v30 =	vmul.f32 v19, v19  }
0x95: {  	v27 =	vld [tilespmem:s0+$0x8430];
	v31 =	vmul.f32 v24, v24;
	v32 =	vmul.f32 v22, v22;
	s23 =	smul.f32 s22, s9  }
0x96: {  	v40 =	vmul.f32 v26, v26;
	s10 =	spop (v2sf);
	s1 =	smul.f32 s5, s1;
	v39 =	vadd.f32 v30, v29;
	v41, _, _ =	vpop (xrf2)  }
0x97: {  	s11 =	spop (v2sf);
	v32 =	vadd.f32 v32, v31;
	s6 =	smul.f32 s23, s20;
	(v2sf) =	vpush v41, $0xF;
	v62, _, _ =	vpop (xrf2)  }
0x98: {  	v33 =	vmul.f32 v21, v21;
	s10 =	smax.f32 s10, $9.999999960e-13;
	s1 =	smul.f32 s1, s5;
	v39 =	vadd.f32 v40, v39;
	(v2sf) =	vpush v62, $0xF  }
0x99: {  	v11 =	vld [tilespmem:$0x18400];
	s12 =	smax.f32 s11, $9.999999960e-13;
	s26 =	smul.f32 $5.000000000e-01, s10  }
0x9a: {  	v42 =	vmul.f32 v27, v27;
	v32 =	vadd.f32 v33, v32;
	s13 =	smul.f32 s6, s23;
	s18 =	ssub.f32 $1.500000000e+00, s1;
	(xrf2) =	vadd.scan.msk.f32 $0xffff, v39  }
0x9b: {  	s11 =	sshrl.u32 s12, $0x1;
	s6 =	smul.f32 $5.000000000e-01, s12;
	s1 =	simm.s32 $0x100  }
0x9c: {  	s8 =	ssub.s32 $0x5F3759DF, s11;
	v63 =	vadd.f32 v42, v32;
	s14 =	ssub.f32 $1.500000000e+00, s13;
	v31 =	vld [tilespmem:s1+$0x400];
	s18 =	smul.f32 s18, s5  }
0x9d: {  	s20 =	sshrl.u32 s10, $0x1;
	s21 =	smul.f32 s8, s6;
	v30 =	vld [tilespmem:s1+$0x410]  }
0x9e: {  	s9 =	ssub.s32 $0x5F3759DF, s20;
	v29 =	vld [tilespmem:s1+$0x420];
	(xrf2) =	vadd.scan.msk.f32 $0xffff, v63;
	s5 =	smul.f32 s14, s23;
	v38 =	vmul.f32 s18, v11  }
0x9f: {  	s22 =	smul.f32 s9, s26;
	v33 =	vld [tilespmem:s1+$0x8400]  }
0xa0: {  	v32 =	vld [tilespmem:s1+$0x8410];
	s23 =	smul.f32 s8, s21;
	v43 =	vmul.f32 s5, v35;
	v37 =	vmul.f32 v38, v37  }
0xa1: {  	s10 =	smul.f32 s9, s22;
	v35 =	vld [tilespmem:s1+$0x430];
	v39 =	vmul.f32 v38, v34;
	v36 =	vmul.f32 v38, v36  }
0xa2: {  	s7 =	simm.s32 $0x500;
	s18 =	ssub.f32 $1.500000000e+00, s23;
	v34 =	vld [tilespmem:s1+$0x8420];
	v41 =	vmul.f32 v31, v31;
	v42 =	vmul.f32 v30, v30;
	v40 =	vadd.f32 v37, v43  }
.LBB2_2:
0xa3: {  	p0 =	sne.s32 s7, $0x1FF00;
	s10 =	ssub.f32 $1.500000000e+00, s10;
	v37 =	vmul.f32 s5, v0;
	v28 =	vmul.f32 v38, v28;
	v0 =	vmovc v4;
	v4 =	vmovc v5;
	v5 =	vmov v25  }
0xa4: {  	v44 =	vmul.f32 s5, v8;
	v43 =	vld [tilespmem:s1+$0x8430];
	v38 =	vadd.f32 v42, v41;
	v41 =	vmul.f32 v29, v29;
	v42, _, _ =	vpop (xrf2);
	s11 =	smul.f32 s8, s18;
	[tilespmem:s30+$0x10430] =	vst v40  }
0xa5: {  	v25 =	vmovc v31;
	v40 =	vmul.f32 v33, v33;
	v45 =	vmul.f32 v32, v32;
	s10 =	smul.f32 s9, s10;
	v37 =	vadd.f32 v39, v37  }
0xa6: {  	v8 =	vmovc v6;
	v6 =	vmovc v12;
	v39 =	vmul.f32 s5, v10;
	v31 =	vadd.f32 v41, v38;
	v38 =	vmul.f32 v35, v35;
	s8 =	spop (v2sf);
	s6 =	smul.f32 s11, s6  }
0xa7: {  	s5 =	spop (v2sf);
	s9 =	smul.f32 s10, s26  }
0xa8: {  	v45 =	vadd.f32 v45, v40;
	v41 =	vmul.f32 v34, v34;
	(v2sf) =	vpush v42, $0xF;
	v10, _, _ =	vpop (xrf2);
	[tilespmem:s30+$0x10400] =	vst v37;
	s18 =	smax.f32 s8, $9.999999960e-13;
	s6 =	smul.f32 s6, s11  }
0xa9: {  	v12 =	vmovc v18;
	v18 =	vmovc v30;
	v31 =	vadd.f32 v38, v31;
	(v2sf) =	vpush v10, $0xF;
	v10 =	vmov v13;
	s5 =	smax.f32 s5, $9.999999960e-13;
	s26 =	smul.f32 $5.000000000e-01, s18  }
0xaa: {  	v13 =	vmovc v3;
	v30 =	vadd.f32 v41, v45;
	v38 =	vmul.f32 v43, v43;
	v41 =	vadd.f32 v36, v44;
	s9 =	smul.f32 s9, s10;
	s20 =	ssub.f32 $1.500000000e+00, s6  }
0xab: {  	s12 =	sshra.s32 s7, $0x2;
	v39 =	vadd.f32 v28, v39;
	v3 =	vmovc v19;
	v19 =	vmov v29;
	v40 =	vmov v33;
	s8 =	sshrl.u32 s5, $0x1;
	(xrf2) =	vadd.scan.msk.f32 $0xffff, v31;
	s6 =	smul.f32 $5.000000000e-01, s5  }
0xac: {  	v37 =	vmovc v15;
	v15 =	vmovc v22;
	v22 =	vmov v32;
	v36 =	vmov v17;
	s8 =	ssub.s32 $0x5F3759DF, s8;
	v29 =	vadd.f32 v38, v30;
	[tilespmem:s30+$0x10410] =	vst v41;
	s5 =	ssub.f32 $1.500000000e+00, s9;
	s11 =	smul.f32 s20, s11  }
0xad: {  	v28 =	vmovc v1;
	v1 =	vmovc v16;
	v17 =	vmov v20;
	v20 =	vmov v26;
	v26 =	vmov v35;
	s9 =	sshrl.u32 s18, $0x1;
	v31 =	vld [tilespmem:s12+$0x400];
	[tilespmem:s30+$0x10420] =	vst v39;
	s18 =	smul.f32 s8, s6  }
0xae: {  	v16 =	vmov v21;
	v21 =	vmov v34;
	s30 =	smov.u32 s29;
	v30 =	vld [tilespmem:s12+$0x410];
	(xrf2) =	vadd.scan.msk.f32 $0xffff, v29;
	s5 =	smul.f32 s5, s10  }
.Ltmp0:
0xaf: {  	s9 =	ssub.s32 $0x5F3759DF, s9;
	v29 =	vld [tilespmem:s12+$0x420];
	v38 =	vmul.f32 s11, v11;
	(pc) =	sbr.rel @p0 .LBB2_2-.Ltmp0, $4  }
0xb0: {  	s29 =	smov.u32 s31;
	s31 =	smov.u32 s0;
	s10 =	smul.f32 s9, s26;
	v33 =	vld [tilespmem:s12+$0x8400]  }
0xb1: {  	s0 =	smov.u32 s1;
	s1 =	smov.u32 s12;
	s11 =	smul.f32 s8, s18;
	v44 =	vmul.f32 s5, v36;
	v32 =	vld [tilespmem:s12+$0x8410];
	v45 =	vmul.f32 v38, v9;
	v9 =	vmovc v23;
	v23 =	vmovc v27;
	v27 =	vmov v43  }
0xb2: {  	s10 =	smul.f32 s9, s10;
	v39 =	vmul.f32 v38, v2;
	v36 =	vmul.f32 v38, v7;
	v2 =	vmovc v14;
	v14 =	vmovc v24;
	v24 =	vmov v40;
	v35 =	vld [tilespmem:s1+$0x430]  }
0xb3: {  	s7 =	sadd.s32 $0x100, s7;
	s18 =	ssub.f32 $1.500000000e+00, s11;
	v7 =	vmovc v37;
	v41 =	vmul.f32 v31, v31;
	v34 =	vld [tilespmem:s1+$0x8420];
	v42 =	vmul.f32 v30, v30;
	v40 =	vadd.f32 v45, v44  }
0xb4: {  	_ = 	snop  }
0xb5: {  	v37 =	vld [tilespmem:s1+$0x8430]  }
0xb6: {  	s7 =	ssub.f32 $1.500000000e+00, s10;
	v43 =	vmul.f32 v33, v33;
	v44 =	vmul.f32 v32, v32  }
0xb7: {  	v50 =	vmul.f32 v29, v29;
	v41 =	vadd.f32 v42, v41;
	s8 =	smul.f32 s8, s18  }
0xb8: {  	s7 =	smul.f32 s9, s7;
	v43 =	vadd.f32 v44, v43;
	v51 =	vmul.f32 v34, v34  }
0xb9: {  	v45, _, _ =	vpop (xrf2);
	v41 =	vadd.f32 v50, v41;
	v52 =	vmul.f32 v35, v35;
	s10 =	spop (v2sf);
	s6 =	smul.f32 s8, s6  }
0xba: {  	(v2sf) =	vpush v45, $0xF;
	s12 =	spop (v2sf);
	s11 =	smul.f32 s7, s26;
	v53 =	vmul.f32 v37, v37;
	v43 =	vadd.f32 v51, v43  }
0xbb: {  	v54, _, _ =	vpop (xrf2);
	s9 =	smax.f32 s10, $9.999999960e-13;
	v41 =	vadd.f32 v52, v41;
	s6 =	smul.f32 s6, s8  }
0xbc: {  	(v2sf) =	vpush v54, $0xF;
	s10 =	smax.f32 s12, $9.999999960e-13;
	s12 =	smul.f32 $5.000000000e-01, s9;
	v55 =	vadd.f32 v53, v43  }
0xbd: {  	s9 =	sshrl.u32 s9, $0x1;
	s13 =	sshrl.u32 s10, $0x1;
	s10 =	smul.f32 $5.000000000e-01, s10;
	(xrf2) =	vadd.scan.msk.f32 $0xffff, v41  }
0xbe: {  	s11 =	smul.f32 s11, s7;
	s9 =	ssub.s32 $0x5F3759DF, s9;
	(xrf2) =	vadd.scan.msk.f32 $0xffff, v55  }
0xbf: {  	s18 =	ssub.s32 $0x5F3759DF, s13;
	s14 =	smul.f32 s9, s12  }
0xc0: {  	s20 =	smul.f32 s18, s10  }
0xc1: {  	s6 =	ssub.f32 $1.500000000e+00, s6;
	s26 =	smul.f32 s9, s14  }
0xc2: {  	s11 =	ssub.f32 $1.500000000e+00, s11;
	s20 =	smul.f32 s18, s20  }
0xc3: {  	s8 =	smul.f32 s6, s8;
	s21 =	ssub.f32 $1.500000000e+00, s26  }
0xc4: {  	s7 =	smul.f32 s11, s7;
	s20 =	ssub.f32 $1.500000000e+00, s20  }
0xc5: {  	s9 =	smul.f32 s9, s21  }
0xc6: {  	s6 =	smul.f32 s18, s20  }
0xc7: {  	s12 =	smul.f32 s9, s12;
	v41, _, _ =	vpop (xrf2)  }
0xc8: {  	s10 =	smul.f32 s6, s10;
	(v2sf) =	vpush v41, $0xF;
	v56, _, _ =	vpop (xrf2)  }
0xc9: {  	s22 =	spop (v2sf);
	s12 =	smul.f32 s12, s9;
	(v2sf) =	vpush v56, $0xF  }
0xca: {  	s10 =	smul.f32 s10, s6;
	s18 =	smax.f32 s22, $9.999999960e-13  }
0xcb: {  	s21 =	smul.f32 $5.000000000e-01, s18;
	s23 =	spop (v2sf)  }
0xcc: {  	s10 =	ssub.f32 $1.500000000e+00, s10;
	s11 =	smax.f32 s23, $9.999999960e-13  }
0xcd: {  	s26 =	sshrl.u32 s11, $0x1;
	s11 =	smul.f32 $5.000000000e-01, s11  }
0xce: {  	s12 =	ssub.f32 $1.500000000e+00, s12;
	s10 =	smul.f32 s10, s6;
	s20 =	ssub.s32 $0x5F3759DF, s26  }
0xcf: {  	s13 =	smul.f32 s20, s11  }
0xd0: {  	s18 =	sshrl.u32 s18, $0x1;
	s6 =	smul.f32 s12, s9  }
0xd1: {  	s9 =	ssub.s32 $0x5F3759DF, s18;
	s26 =	smul.f32 s20, s13  }
0xd2: {  	s18 =	smul.f32 s9, s21  }
0xd3: {  	s26 =	ssub.f32 $1.500000000e+00, s26  }
0xd4: {  	s18 =	smul.f32 s9, s18  }
0xd5: {  	s12 =	smul.f32 s20, s26  }
0xd6: {  	s18 =	ssub.f32 $1.500000000e+00, s18  }
0xd7: {  	s11 =	smul.f32 s12, s11;
	s14 =	spop (v2sf)  }
0xd8: {  	s9 =	smul.f32 s9, s18;
	s22 =	spop (v2sf)  }
0xd9: {  	s11 =	smul.f32 s11, s12;
	s26 =	smax.f32 s22, $9.999999960e-13  }
0xda: {  	s20 =	smax.f32 s14, $9.999999960e-13;
	s22 =	sshrl.u32 s26, $0x1;
	s26 =	smul.f32 $5.000000000e-01, s26  }
0xdb: {  	s13 =	smul.f32 $5.000000000e-01, s20;
	s20 =	sshrl.u32 s20, $0x1;
	s22 =	ssub.s32 $0x5F3759DF, s22  }
0xdc: {  	s20 =	ssub.s32 $0x5F3759DF, s20;
	s23 =	smul.f32 s22, s26  }
0xdd: {  	s14 =	smul.f32 s20, s13  }
0xde: {  	s11 =	ssub.f32 $1.500000000e+00, s11;
	s23 =	smul.f32 s22, s23  }
0xdf: {  	v0 =	vmul.f32 s5, v0;
	v8 =	vmul.f32 s5, v8;
	s14 =	smul.f32 s20, s14  }
0xe0: {  	v10 =	vmul.f32 s5, v10;
	v28 =	vmul.f32 v38, v28;
	s18 =	ssub.f32 $1.500000000e+00, s23;
	s23 =	smul.f32 s11, s12  }
0xe1: {  	v57 =	vmul.f32 s8, v11;
	v17 =	vmul.f32 s7, v17;
	s12 =	ssub.f32 $1.500000000e+00, s14;
	s14 =	smul.f32 s9, s21  }
0xe2: {  	v0 =	vadd.f32 v39, v0;
	v4 =	vmul.f32 s7, v4;
	v6 =	vmul.f32 s7, v6;
	s8 =	smul.f32 s22, s18  }
0xe3: {  	[tilespmem:s30+$0x10430] =	vst v40;
	v8 =	vadd.f32 v36, v8;
	v13 =	vmul.f32 s7, v13;
	v9 =	vmul.f32 v57, v9;
	s18 =	smul.f32 s20, s12  }
0xe4: {  	v59 =	vadd.f32 v28, v10;
	[tilespmem:s30+$0x10400] =	vst v0;
	v2 =	vmul.f32 v57, v2;
	v7 =	vmul.f32 v57, v7;
	s20 =	smul.f32 s14, s9  }
0xe5: {  	[tilespmem:s30+$0x10410] =	vst v8;
	v1 =	vmul.f32 v57, v1;
	v60 =	vadd.f32 v9, v17;
	v58 =	vmul.f32 s10, v11;
	s21 =	smul.f32 s8, s26  }
0xe6: {  	[tilespmem:s30+$0x10420] =	vst v59;
	v61 =	vadd.f32 v2, v4;
	v62 =	vmul.f32 s6, v20;
	v28 =	vmul.f32 s6, v5;
	s10 =	ssub.f32 $1.500000000e+00, s20;
	s22 =	smul.f32 s18, s13  }
0xe7: {  	v6 =	vadd.f32 v7, v6;
	[tilespmem:s29+$0x10430] =	vst v60;
	v39 =	vmul.f32 s6, v12;
	v63 =	vmul.f32 v58, v23;
	s11 =	smul.f32 s21, s8  }
0xe8: {  	[tilespmem:s29+$0x10400] =	vst v61;
	v17 =	vmul.f32 v58, v14;
	v23 =	vadd.f32 v1, v13;
	v40 =	vmul.f32 s23, v11;
	s9 =	smul.f32 s10, s9  }
0xe9: {  	[tilespmem:s29+$0x10410] =	vst v6;
	v42 =	vmul.f32 s6, v3;
	v20 =	vmul.f32 v58, v15;
	v2 =	vadd.f32 v63, v62;
	s23 =	smul.f32 s22, s18;
	s26 =	ssub.f32 $1.500000000e+00, s11  }
0xea: {  	v38 =	vmul.f32 v58, v16;
	[tilespmem:s29+$0x10420] =	vst v23;
	v41 =	vadd.f32 v17, v28;
	v45 =	vmul.f32 v40, v27  }
0xeb: {  	v44 =	vadd.f32 v20, v39;
	[tilespmem:s31+$0x10430] =	vst v2;
	v46 =	vmul.f32 v40, v24;
	v43 =	vmul.f32 s9, v26;
	s5 =	ssub.f32 $1.500000000e+00, s23;
	s29 =	smul.f32 s26, s8  }
0xec: {  	v47 =	vadd.f32 v38, v42;
	[tilespmem:s31+$0x10400] =	vst v41;
	v48 =	vmul.f32 v40, v22;
	v49 =	vmul.f32 s9, v25  }
0xed: {  	[tilespmem:s31+$0x10410] =	vst v44;
	v51 =	vmul.f32 s9, v18;
	v50 =	vadd.f32 v45, v43;
	s5 =	smul.f32 s5, s18;
	v52 =	vmul.f32 s29, v11  }
0xee: {  	[tilespmem:s31+$0x10420] =	vst v47;
	v53 =	vmul.f32 v40, v21;
	v54 =	vmul.f32 s9, v19;
	v5 =	vadd.f32 v46, v49  }
0xef: {  	v1 =	vadd.f32 v48, v51;
	[tilespmem:s0+$0x10430] =	vst v50;
	v55 =	vmul.f32 s5, v35;
	v56 =	vmul.f32 v52, v37  }
0xf0: {  	v0 =	vadd.f32 v53, v54;
	[tilespmem:s0+$0x10400] =	vst v5;
	v58 =	vmul.f32 s5, v31;
	v57 =	vmul.f32 v52, v33  }
0xf1: {  	[tilespmem:s0+$0x10410] =	vst v1;
	v60 =	vmul.f32 s5, v30;
	v59 =	vmul.f32 v52, v32;
	v2 =	vadd.f32 v56, v55  }
0xf2: {  	[tilespmem:s0+$0x10420] =	vst v0;
	v63 =	vmul.f32 s5, v29;
	v61 =	vmul.f32 v52, v34;
	v62 =	vadd.f32 v57, v58  }
0xf3: {  	v1 =	vadd.f32 v59, v60;
	[tilespmem:s1+$0x10430] =	vst v2  }
0xf4: {  	s28 =	sadd.s32 $0x1, s28;
	v0 =	vadd.f32 v61, v63;
	[tilespmem:s1+$0x10400] =	vst v62  }
0xf5: {  	p0 =	sne.s32 s28, s15;
	[tilespmem:s1+$0x10410] =	vst v1  }
.Ltmp1:
0xf6: {  	s30 =	rddreg [dreg:$0xe];
	s31 =	simm.s32 $0x10400;
	[tilespmem:s1+$0x10420] =	vst v0;
	(pc) =	sbr.rel @p0 .LBB2_1-.Ltmp1, $4  }
0xf7: {  	[hbm4b:s30+s2] =	stream.linear.scatter [tilespmem:s31], [sflag:$0x3], $0x8000, $0x38;
	[tilespmem:$0x18410] =	vst v63  }
0xf8: {  	_ =	swait.ge [sflag:s17], $0x8000  }
0xf9: {  	[sflag:s17] =	ssyncset.done $0x0  }
0xfa: {  	[sflag:s17] =	ssyncadd.s32 $0xFFFF8000  }
0xfb: {  	_ =	sfence.sel $0x180000  }
0xfc: {  	[bflag:$0x0] =	sbarrier.arrive $0xFFFF  }
0xfd: {  	_ =	strace $0x90000047  }
0xfe: {  	s0 =	stileid.u32;
	[bflag:$0x2] =	sbarrier.arrive $0xFFFF  }
0xff: {  	p0 =	sne.s32 s0, $0x0;
	s0 =	rddreg [dreg:$0x4]  }
0x100: {  	s0 =	sadd.s32 @!p0 $0x100000, s0  }
0x101: {  	[sflag:s0] =	ssyncadd.tile.s32 @!p0 $0x1;
	_ =	shalt  }
.Lfunc_end2:
_tile_overlayer_lowered:
.L_overlay_start_2:
0x102: {  	(tag) =	ssettag $0x2  }
0x103: {  	s0 =	rddreg [dreg:$0x0];
	s2 =	stileid.u32  }
0x104: {  	s1 =	rddreg [dreg:$0x1];
	p0 =	sne.s32 s2, $0x0  }
0x105: {  	s3 =	rddreg [dreg:$0x2];
	[bflag:$0x3] =	sbarrier.arrive $0xFFFF;
	s2 =	simm.s32 @!p0 $0x1C03  }
0x106: {  	[timem:s3], [sflag:s2] =	dma.local @!p0 [hbm:s0], s1  }
0x107: {  	s0 =	simm.s32 @!p0 $0x3  }
0x108: {  	_ =	swait.ge @!p0 [sflag:s0], s1  }
0x109: {  	s1 =	ssub.s32 @!p0 $0x0, s1;
	[sflag:s0] =	ssyncset.done @!p0 $0x0  }
0x10a: {  	[sflag:s0] =	ssyncadd.s32 @!p0 s1  }
0x10b: {  	[bflag:$0x3] =	sbarrier.arrive $0xFFFF  }
0x10c: {  	_ =	shalt  }

</sc_bundles>
